<compile_context>
chip_gen: v7x
topology: tpu7x:2x2x1
jax: 0.10.2.dev20260603
libtpu: 0.0.44.dev20260713+nightly
codegen_flags: <defaults>
</compile_context>

<pallas_src>
import functools

import jax
import jax.numpy as jnp
from jax import lax
from jax.experimental import pallas as pl
from jax.experimental.pallas import tpu as pltpu
from jax.experimental.pallas import tpu_sc as plsc

_N = 10000
_D = 128
_E = 320000
_NC = 2
_NS = 16
_NW = _NC * _NS
_L = 16
_C = 128
_CHUNKS = -(-_E // (_NW * _C))
_PER_TILE = _CHUNKS * _C
_E_PAD = _PER_TILE * _NW
_N_PAD = 10112
_STRIPE = _N_PAD // _NS


def _make_segsum(with_deg):
  mesh = plsc.VectorSubcoreMesh(core_axis_name="c", subcore_axis_name="s")
  out_type = [jax.ShapeDtypeStruct((_NC, _N_PAD, _D), jnp.float32)]
  scratch = [
      pltpu.VMEM((_C,), jnp.int32),
      pltpu.VMEM((_C,), jnp.int32),
      pltpu.VMEM((_C, _D), jnp.float32),
      pltpu.VMEM_SHARED((_N_PAD, _D), jnp.float32),
      pltpu.SemaphoreType.DMA,
  ]
  if with_deg:
    out_type.append(jax.ShapeDtypeStruct((_NW, 1, _N_PAD), jnp.float32))
    scratch.append(pltpu.VMEM((_N_PAD,), jnp.float32))

  def body(x_hbm, src_hbm, dst_hbm, zeros_hbm, *refs):
    if with_deg:
      acc_out, deg_out, src_v, dst_v, rows_v, acc_sh, sem, deg_v = refs
    else:
      acc_out, src_v, dst_v, rows_v, acc_sh, sem = refs
    c = lax.axis_index("c")
    s = lax.axis_index("s")
    wid = s * _NC + c
    r0 = s * _STRIPE
    pltpu.sync_copy(zeros_hbm.at[pl.ds(r0, _STRIPE)],
                    acc_sh.at[pl.ds(r0, _STRIPE)])
    if with_deg:
      z16 = jnp.zeros((_L,), jnp.float32)

      def zero_deg(i, carry):
        deg_v[pl.ds(i * _L, _L)] = z16
        return carry

      lax.fori_loop(0, _N_PAD // _L, zero_deg, 0)
    plsc.subcore_barrier()

    ones16 = jnp.ones((_L,), jnp.float32)

    def chunk_body(ebase):
      def chunk(i, carry):
        off = ebase + i * _C
        pltpu.sync_copy(src_hbm.at[pl.ds(off, _C)], src_v)
        pltpu.sync_copy(dst_hbm.at[pl.ds(off, _C)], dst_v)
        pltpu.async_copy(x_hbm.at[src_v], rows_v, sem).wait()
        pltpu.sync_copy(rows_v, acc_sh.at[dst_v], add=True)
        if with_deg:
          for l in range(_C // _L):
            plsc.addupdate_scatter(deg_v, [dst_v[pl.ds(l * _L, _L)]], ones16)
        return carry

      return chunk

    lax.fori_loop(0, _CHUNKS, chunk_body(wid * _PER_TILE), 0)
    plsc.subcore_barrier()
    pltpu.sync_copy(acc_sh.at[pl.ds(r0, _STRIPE)],
                    acc_out.at[c, pl.ds(r0, _STRIPE)])
    if with_deg:
      pltpu.sync_copy(deg_v, deg_out.at[wid, 0])

  out = out_type if with_deg else out_type[0]
  params = pltpu.CompilerParams(needs_layout_passes=False) if with_deg else None
  return pl.kernel(body, out_type=out, mesh=mesh, scratch_types=scratch,
                   compiler_params=params)


_segsum_deg = _make_segsum(True)
_segsum = _make_segsum(False)

_BN = 1000


def _dense_body(relu, p_ref, d_ref, x_ref, wl_ref, wr_ref, b_ref, o_ref):
  p = p_ref[...]
  deg = jnp.sum(d_ref[...], axis=1, keepdims=True)
  agg = (p[0] + p[1]) / jnp.maximum(deg, 1.0)
  out = lax.dot_general(agg, wl_ref[...], (((1,), (1,)), ((), ())),
                        preferred_element_type=jnp.float32)
  out = out + lax.dot_general(x_ref[...], wr_ref[...], (((1,), (1,)), ((), ())),
                              preferred_element_type=jnp.float32)
  out = out + b_ref[...]
  if relu:
    out = jnp.maximum(out, 0.0)
  o_ref[...] = out


def _dense(parts, degT, xin, Wl, Wr, b, relu):
  return pl.pallas_call(
      functools.partial(_dense_body, relu),
      grid=(_N // _BN,),
      in_specs=[
          pl.BlockSpec((_NC, _BN, _D), lambda i: (0, i, 0)),
          pl.BlockSpec((_BN, _NW), lambda i: (i, 0)),
          pl.BlockSpec((_BN, _D), lambda i: (i, 0)),
          pl.BlockSpec((_D, _D), lambda i: (0, 0)),
          pl.BlockSpec((_D, _D), lambda i: (0, 0)),
          pl.BlockSpec((1, _D), lambda i: (0, 0)),
      ],
      out_specs=pl.BlockSpec((_BN, _D), lambda i: (i, 0)),
      out_shape=jax.ShapeDtypeStruct((_N, _D), jnp.float32),
  )(parts, degT, xin, Wl, Wr, b.reshape(1, _D))


def kernel(x, edge_index, W1l, b1, W1r, W2l, b2, W2r):
  pad = _E_PAD - _E
  pad_dst = _N + (jnp.arange(pad, dtype=jnp.int32) % (_N_PAD - _N))
  src = jnp.concatenate([edge_index[0], jnp.zeros((pad,), jnp.int32)])
  dst = jnp.concatenate([edge_index[1], pad_dst])
  zeros = jnp.zeros((_N_PAD, _D), jnp.float32)
  parts1, deg32 = _segsum_deg(x, src, dst, zeros)
  degT = deg32.reshape(_NW, _N_PAD).T
  h = _dense(parts1, degT, x, W1l, W1r, b1, True)
  parts2 = _segsum(h, src, dst, zeros)
  return _dense(parts2, degT, h, W2l, W2r, b2, False)

# --- scband reference (transcript-rebuilt; emitter-appended) ---
"""Pipeline reference for scband-graph-sage-36773509988957 (READ-ONLY COPY).

The authoritative reference and input builder live on the scoring server;
editing this copy changes nothing except your own understanding.
"""

import jax, jax.numpy as jnp
import numpy as np

N = 10000
E = 320000
D = 128


def setup_inputs(seed: int = 0) -> dict:
    key = jax.random.key(seed)
    ks = jax.random.split(key, 9)
    x = jax.random.normal(ks[0], (N, D), dtype=jnp.float32)
    edge_index = jax.random.randint(ks[1], (2, E), 0, N, dtype=jnp.int32)
    scale = 1.0 / np.sqrt(D)
    W1l = jax.random.normal(ks[2], (D, D), dtype=jnp.float32) * scale
    b1 = jnp.zeros((D,), dtype=jnp.float32)
    W1r = jax.random.normal(ks[3], (D, D), dtype=jnp.float32) * scale
    W2l = jax.random.normal(ks[4], (D, D), dtype=jnp.float32) * scale
    b2 = jnp.zeros((D,), dtype=jnp.float32)
    W2r = jax.random.normal(ks[5], (D, D), dtype=jnp.float32) * scale
    return {"x": x, "edge_index": edge_index, "W1l": W1l, "b1": b1, "W1r": W1r, "W2l": W2l, "b2": b2, "W2r": W2r}


def _sage_layer(x, edge_index, Wl, Wr, b):
    # PyG SAGEConv with mean aggregation:
    #   out_i = lin_l(mean_{j in N(i)} x_j) + lin_r(x_i)
    src = edge_index[0]
    dst = edge_index[1]
    msgs = jnp.take(x, src, axis=0)                       # gather (SparseCore)
    agg = jax.ops.segment_sum(msgs, dst, num_segments=N)  # scatter-add
    deg = jax.ops.segment_sum(jnp.ones((msgs.shape[0], 1), dtype=x.dtype), dst, num_segments=N)
    agg = agg / jnp.maximum(deg, 1.0)
    return agg @ Wl.T + b + x @ Wr.T


def reference(x, edge_index, W1l, b1, W1r, W2l, b2, W2r):
    # layer 0 (conv0), both layers use edges_config['edge_index_0']
    h = _sage_layer(x, edge_index, W1l, W1r, b1)
    # act1 = ReLU
    h = jax.nn.relu(h)
    # layer 1 (conv1)
    h = _sage_layer(h, edge_index, W2l, W2r, b2)
    return h

if __name__ == "__main__":
    import jax
    _d = setup_inputs()
    print(jax.jit(kernel)(*tuple(_d.values())))

</pallas_src>

<mosaic_0001>
#map = affine_map<(d0, d1) -> (0, 0)>
#map1 = affine_map<(d0, d1) -> (0)>
#map2 = affine_map<(d0, d1) -> (0, 0, 0)>
module attributes {stable_mosaic.version = 14 : i64} {
  func.func @body(%arg0: i32, %arg1: i32, %arg2: memref<10000x128xf32, #tpu.memory_space<hbm>>, %arg3: memref<323584xi32, #tpu.memory_space<hbm>>, %arg4: memref<323584xi32, #tpu.memory_space<hbm>>, %arg5: memref<10112x128xf32, #tpu.memory_space<hbm>>, %arg6: memref<2x10112x128xf32, #tpu.memory_space<hbm>>, %arg7: memref<128xi32, #tpu.memory_space<vmem>>, %arg8: memref<128xi32, #tpu.memory_space<vmem>>, %arg9: memref<128x128xf32, #tpu.memory_space<vmem>>, %arg10: memref<10112x128xf32, #tpu.memory_space<vmem_shared>>, %arg11: memref<!tpu.dma_semaphore, #tpu.memory_space<semaphore_mem>>) attributes {dimension_semantics = [#tpu.dimension_semantics<core_parallel>, #tpu.dimension_semantics<subcore_parallel>], iteration_bounds = array<i64: 2, 16>, scalar_prefetch = 0 : i64, scratch_operands = 5 : i64, tpu.core_type = #tpu.core_type<sc_vector_subcore>, window_params = [{transform_indices = #map}, {transform_indices = #map1}, {transform_indices = #map1}, {transform_indices = #map}, {transform_indices = #map2}]} {
    %mul3A = arith.constant 2 : i32
    %mul3A_0 = arith.muli %arg1, %mul3A : i32
    %add3A = arith.addi %mul3A_0, %arg0 : i32
    %mul3A_1 = arith.constant 632 : i32
    %mul3A_2 = arith.muli %arg1, %mul3A_1 : i32
    "tpu.region"() ({
      %run_scoped3A = tpu.sem_alloc : memref<!tpu.dma_semaphore, #tpu.memory_space<semaphore_mem>>
      %dma_start3A = arith.constant 0 : i32
      %dma_start3A_12 = tpu.memref_slice %arg10[%mul3A_2, %dma_start3A] : memref<10112x128xf32, #tpu.memory_space<vmem_shared>> -> memref<632x128xf32, #tpu.memory_space<vmem_shared>>
      %dma_start3A_13 = arith.constant 0 : i32
      %dma_start3A_14 = tpu.memref_slice %arg5[%mul3A_2, %dma_start3A_13] : memref<10112x128xf32, #tpu.memory_space<hbm>> -> memref<632x128xf32, #tpu.memory_space<hbm>>
      tpu.enqueue_dma source(%dma_start3A_14 : memref<632x128xf32, #tpu.memory_space<hbm>>) target(%dma_start3A_12 : memref<632x128xf32, #tpu.memory_space<vmem_shared>>) target_semaphore(%run_scoped3A : memref<!tpu.dma_semaphore, #tpu.memory_space<semaphore_mem>>)
      %dma_wait3A = arith.constant 0 : i32
      %dma_wait3A_15 = tpu.memref_slice %arg10[%mul3A_2, %dma_wait3A] : memref<10112x128xf32, #tpu.memory_space<vmem_shared>> -> memref<632x128xf32, #tpu.memory_space<vmem_shared>>
      %dma_wait3A_16 = arith.constant 0 : i32
      %dma_wait3A_17 = tpu.memref_slice %arg5[%mul3A_2, %dma_wait3A_16] : memref<10112x128xf32, #tpu.memory_space<hbm>> -> memref<632x128xf32, #tpu.memory_space<hbm>>
      tpu.wait_dma2 semaphore(%run_scoped3A : memref<!tpu.dma_semaphore, #tpu.memory_space<semaphore_mem>>) src(%dma_wait3A_17 : memref<632x128xf32, #tpu.memory_space<hbm>>) dst(%dma_wait3A_15 : memref<632x128xf32, #tpu.memory_space<vmem_shared>>)
      tpu.yield
    }) : () -> ()
    %barrier3A = arith.constant 0 : index
    tpu.barrier barrier_id(%barrier3A)
    %broadcast_in_dim3A = arith.constant 1.000000e+00 : f32
    %broadcast_in_dim3A_3 = vector.broadcast %broadcast_in_dim3A : f32 to vector<16xf32>
    %mul3A_4 = arith.constant 10112 : i32
    %mul3A_5 = arith.muli %add3A, %mul3A_4 : i32
    %scan3A = arith.constant 0 : i32
    %scan3A_6 = arith.constant 0 : i32
    %scan3A_7 = arith.constant 79 : i32
    %scan3A_8 = arith.addi %scan3A_6, %scan3A_7 : i32
    %scan3A_9 = arith.constant 1 : i32
    scf.for %scan3A_12 = %scan3A_6 to %scan3A_8 step %scan3A_9  : i32 {
      %mul3A_13 = arith.constant 128 : i32
      %mul3A_14 = arith.muli %scan3A_12, %mul3A_13 : i32
      %add3A_15 = arith.addi %mul3A_5, %mul3A_14 : i32
      "tpu.region"() ({
        %run_scoped3A = tpu.sem_alloc : memref<!tpu.dma_semaphore, #tpu.memory_space<semaphore_mem>>
        %dma_start3A_20 = tpu.memref_slice %arg3[%add3A_15] : memref<323584xi32, #tpu.memory_space<hbm>> -> memref<128xi32, #tpu.memory_space<hbm>>
        %dma_start3A_21 = tpu.memref_slice %arg3[%add3A_15] : memref<323584xi32, #tpu.memory_space<hbm>> -> memref<128xi32, #tpu.memory_space<hbm>>
        tpu.enqueue_dma source(%dma_start3A_21 : memref<128xi32, #tpu.memory_space<hbm>>) target(%arg7 : memref<128xi32, #tpu.memory_space<vmem>>) target_semaphore(%run_scoped3A : memref<!tpu.dma_semaphore, #tpu.memory_space<semaphore_mem>>)
        %dma_wait3A_22 = tpu.memref_slice %arg3[%add3A_15] : memref<323584xi32, #tpu.memory_space<hbm>> -> memref<128xi32, #tpu.memory_space<hbm>>
        %dma_wait3A_23 = tpu.memref_slice %arg3[%add3A_15] : memref<323584xi32, #tpu.memory_space<hbm>> -> memref<128xi32, #tpu.memory_space<hbm>>
        tpu.wait_dma2 semaphore(%run_scoped3A : memref<!tpu.dma_semaphore, #tpu.memory_space<semaphore_mem>>) src(%dma_wait3A_23 : memref<128xi32, #tpu.memory_space<hbm>>) dst(%arg7 : memref<128xi32, #tpu.memory_space<vmem>>)
        tpu.yield
      }) : () -> ()
      "tpu.region"() ({
        %run_scoped3A = tpu.sem_alloc : memref<!tpu.dma_semaphore, #tpu.memory_space<semaphore_mem>>
        %dma_start3A_20 = tpu.memref_slice %arg4[%add3A_15] : memref<323584xi32, #tpu.memory_space<hbm>> -> memref<128xi32, #tpu.memory_space<hbm>>
        %dma_start3A_21 = tpu.memref_slice %arg4[%add3A_15] : memref<323584xi32, #tpu.memory_space<hbm>> -> memref<128xi32, #tpu.memory_space<hbm>>
        tpu.enqueue_dma source(%dma_start3A_21 : memref<128xi32, #tpu.memory_space<hbm>>) target(%arg8 : memref<128xi32, #tpu.memory_space<vmem>>) target_semaphore(%run_scoped3A : memref<!tpu.dma_semaphore, #tpu.memory_space<semaphore_mem>>)
        %dma_wait3A_22 = tpu.memref_slice %arg4[%add3A_15] : memref<323584xi32, #tpu.memory_space<hbm>> -> memref<128xi32, #tpu.memory_space<hbm>>
        %dma_wait3A_23 = tpu.memref_slice %arg4[%add3A_15] : memref<323584xi32, #tpu.memory_space<hbm>> -> memref<128xi32, #tpu.memory_space<hbm>>
        tpu.wait_dma2 semaphore(%run_scoped3A : memref<!tpu.dma_semaphore, #tpu.memory_space<semaphore_mem>>) src(%dma_wait3A_23 : memref<128xi32, #tpu.memory_space<hbm>>) dst(%arg8 : memref<128xi32, #tpu.memory_space<vmem>>)
        tpu.yield
      }) : () -> ()
      %dma_start3A = arith.constant 0 : i32
      %dma_start3A_16 = arith.constant 0 : i32
      %dma_start3A_17 = tpu.memref_slice %arg2[%dma_start3A, %dma_start3A_16] : memref<10000x128xf32, #tpu.memory_space<hbm>> -> memref<10000x128xf32, #tpu.memory_space<hbm>>
      tpu.enqueue_indirect_dma source(%dma_start3A_17 : memref<10000x128xf32, #tpu.memory_space<hbm>>) target(%arg9 : memref<128x128xf32, #tpu.memory_space<vmem>>) offsets(%arg7 : memref<128xi32, #tpu.memory_space<vmem>>) semaphore(%arg11 : memref<!tpu.dma_semaphore, #tpu.memory_space<semaphore_mem>>)
      %dma_wait3A = arith.constant 0 : i32
      %dma_wait3A_18 = arith.constant 0 : i32
      %dma_wait3A_19 = tpu.memref_slice %arg2[%dma_wait3A, %dma_wait3A_18] : memref<10000x128xf32, #tpu.memory_space<hbm>> -> memref<10000x128xf32, #tpu.memory_space<hbm>>
      tpu.wait_indirect_dma semaphore(%arg11 : memref<!tpu.dma_semaphore, #tpu.memory_space<semaphore_mem>>) src(%dma_wait3A_19 : memref<10000x128xf32, #tpu.memory_space<hbm>>) dst(%arg9 : memref<128x128xf32, #tpu.memory_space<vmem>>)
      "tpu.region"() ({
        %run_scoped3A = tpu.sem_alloc : memref<!tpu.dma_semaphore, #tpu.memory_space<semaphore_mem>>
        %dma_start3A_20 = arith.constant 0 : i32
        %dma_start3A_21 = arith.constant 0 : i32
        %dma_start3A_22 = tpu.memref_slice %arg10[%dma_start3A_20, %dma_start3A_21] : memref<10112x128xf32, #tpu.memory_space<vmem_shared>> -> memref<10112x128xf32, #tpu.memory_space<vmem_shared>>
        tpu.enqueue_indirect_dma source(%arg9 : memref<128x128xf32, #tpu.memory_space<vmem>>) target(%dma_start3A_22 : memref<10112x128xf32, #tpu.memory_space<vmem_shared>>) offsets(%arg8 : memref<128xi32, #tpu.memory_space<vmem>>) semaphore(%run_scoped3A : memref<!tpu.dma_semaphore, #tpu.memory_space<semaphore_mem>>) {add = true}
        %dma_wait3A_23 = arith.constant 0 : i32
        %dma_wait3A_24 = arith.constant 0 : i32
        %dma_wait3A_25 = tpu.memref_slice %arg10[%dma_wait3A_23, %dma_wait3A_24] : memref<10112x128xf32, #tpu.memory_space<vmem_shared>> -> memref<10112x128xf32, #tpu.memory_space<vmem_shared>>
        tpu.wait_indirect_dma semaphore(%run_scoped3A : memref<!tpu.dma_semaphore, #tpu.memory_space<semaphore_mem>>) src(%arg9 : memref<128x128xf32, #tpu.memory_space<vmem>>) dst(%dma_wait3A_25 : memref<10112x128xf32, #tpu.memory_space<vmem_shared>>)
        tpu.yield
      }) : () -> ()
    }
    %scan3A_10 = arith.constant 79 : i32
    %barrier3A_11 = arith.constant 0 : index
    tpu.barrier barrier_id(%barrier3A_11)
    "tpu.region"() ({
      %run_scoped3A = tpu.sem_alloc : memref<!tpu.dma_semaphore, #tpu.memory_space<semaphore_mem>>
      %dma_start3A = arith.constant 0 : i32
      %dma_start3A_12 = tpu.memref_slice %arg6[%arg0, %mul3A_2, %dma_start3A] : memref<2x10112x128xf32, #tpu.memory_space<hbm>> -> memref<1x632x128xf32, #tpu.memory_space<hbm>>
      %dma_start3A_13 = tpu.memref_squeeze %dma_start3A_12 : memref<1x632x128xf32, #tpu.memory_space<hbm>> -> memref<632x128xf32, #tpu.memory_space<hbm>>
      %dma_start3A_14 = arith.constant 0 : i32
      %dma_start3A_15 = tpu.memref_slice %arg10[%mul3A_2, %dma_start3A_14] : memref<10112x128xf32, #tpu.memory_space<vmem_shared>> -> memref<632x128xf32, #tpu.memory_space<vmem_shared>>
      tpu.enqueue_dma source(%dma_start3A_15 : memref<632x128xf32, #tpu.memory_space<vmem_shared>>) target(%dma_start3A_13 : memref<632x128xf32, #tpu.memory_space<hbm>>) target_semaphore(%run_scoped3A : memref<!tpu.dma_semaphore, #tpu.memory_space<semaphore_mem>>)
      %dma_wait3A = arith.constant 0 : i32
      %dma_wait3A_16 = tpu.memref_slice %arg6[%arg0, %mul3A_2, %dma_wait3A] : memref<2x10112x128xf32, #tpu.memory_space<hbm>> -> memref<1x632x128xf32, #tpu.memory_space<hbm>>
      %dma_wait3A_17 = tpu.memref_squeeze %dma_wait3A_16 : memref<1x632x128xf32, #tpu.memory_space<hbm>> -> memref<632x128xf32, #tpu.memory_space<hbm>>
      %dma_wait3A_18 = arith.constant 0 : i32
      %dma_wait3A_19 = tpu.memref_slice %arg10[%mul3A_2, %dma_wait3A_18] : memref<10112x128xf32, #tpu.memory_space<vmem_shared>> -> memref<632x128xf32, #tpu.memory_space<vmem_shared>>
      tpu.wait_dma2 semaphore(%run_scoped3A : memref<!tpu.dma_semaphore, #tpu.memory_space<semaphore_mem>>) src(%dma_wait3A_19 : memref<632x128xf32, #tpu.memory_space<vmem_shared>>) dst(%dma_wait3A_17 : memref<632x128xf32, #tpu.memory_space<hbm>>)
      tpu.yield
    }) : () -> ()
    return
  }
}

#map = affine_map<(d0, d1) -> (0, 0)>
#map1 = affine_map<(d0, d1) -> (0)>
#map2 = affine_map<(d0, d1) -> (0, 0, 0)>
module attributes {stable_mosaic.version = 14 : i64} {
  func.func @body(%arg0: i32, %arg1: i32, %arg2: memref<10000x128xf32, #tpu.memory_space<hbm>>, %arg3: memref<323584xi32, #tpu.memory_space<hbm>>, %arg4: memref<323584xi32, #tpu.memory_space<hbm>>, %arg5: memref<10112x128xf32, #tpu.memory_space<hbm>>, %arg6: memref<2x10112x128xf32, #tpu.memory_space<hbm>>, %arg7: memref<32x1x10112xf32, #tpu.memory_space<hbm>>, %arg8: memref<128xi32, #tpu.memory_space<vmem>>, %arg9: memref<128xi32, #tpu.memory_space<vmem>>, %arg10: memref<128x128xf32, #tpu.memory_space<vmem>>, %arg11: memref<10112x128xf32, #tpu.memory_space<vmem_shared>>, %arg12: memref<!tpu.dma_semaphore, #tpu.memory_space<semaphore_mem>>, %arg13: memref<10112xf32, #tpu.memory_space<vmem>>) attributes {dimension_semantics = [#tpu.dimension_semantics<core_parallel>, #tpu.dimension_semantics<subcore_parallel>], iteration_bounds = array<i64: 2, 16>, scalar_prefetch = 0 : i64, scratch_operands = 6 : i64, tpu.core_type = #tpu.core_type<sc_vector_subcore>, window_params = [{transform_indices = #map}, {transform_indices = #map1}, {transform_indices = #map1}, {transform_indices = #map}, {transform_indices = #map2}, {transform_indices = #map2}]} {
    %mul3A = arith.constant 2 : i32
    %mul3A_0 = arith.muli %arg1, %mul3A : i32
    %add3A = arith.addi %mul3A_0, %arg0 : i32
    %mul3A_1 = arith.constant 632 : i32
    %mul3A_2 = arith.muli %arg1, %mul3A_1 : i32
    "tpu.region"() ({
      %run_scoped3A_20 = tpu.sem_alloc : memref<!tpu.dma_semaphore, #tpu.memory_space<semaphore_mem>>
      %dma_start3A = arith.constant 0 : i32
      %dma_start3A_21 = tpu.memref_slice %arg11[%mul3A_2, %dma_start3A] : memref<10112x128xf32, #tpu.memory_space<vmem_shared>> -> memref<632x128xf32, #tpu.memory_space<vmem_shared>>
      %dma_start3A_22 = arith.constant 0 : i32
      %dma_start3A_23 = tpu.memref_slice %arg5[%mul3A_2, %dma_start3A_22] : memref<10112x128xf32, #tpu.memory_space<hbm>> -> memref<632x128xf32, #tpu.memory_space<hbm>>
      tpu.enqueue_dma source(%dma_start3A_23 : memref<632x128xf32, #tpu.memory_space<hbm>>) target(%dma_start3A_21 : memref<632x128xf32, #tpu.memory_space<vmem_shared>>) target_semaphore(%run_scoped3A_20 : memref<!tpu.dma_semaphore, #tpu.memory_space<semaphore_mem>>)
      %dma_wait3A = arith.constant 0 : i32
      %dma_wait3A_24 = tpu.memref_slice %arg11[%mul3A_2, %dma_wait3A] : memref<10112x128xf32, #tpu.memory_space<vmem_shared>> -> memref<632x128xf32, #tpu.memory_space<vmem_shared>>
      %dma_wait3A_25 = arith.constant 0 : i32
      %dma_wait3A_26 = tpu.memref_slice %arg5[%mul3A_2, %dma_wait3A_25] : memref<10112x128xf32, #tpu.memory_space<hbm>> -> memref<632x128xf32, #tpu.memory_space<hbm>>
      tpu.wait_dma2 semaphore(%run_scoped3A_20 : memref<!tpu.dma_semaphore, #tpu.memory_space<semaphore_mem>>) src(%dma_wait3A_26 : memref<632x128xf32, #tpu.memory_space<hbm>>) dst(%dma_wait3A_24 : memref<632x128xf32, #tpu.memory_space<vmem_shared>>)
      tpu.yield
    }) : () -> ()
    %broadcast_in_dim3A = arith.constant 0.000000e+00 : f32
    %broadcast_in_dim3A_3 = vector.broadcast %broadcast_in_dim3A : f32 to vector<16xf32>
    %scan3A = arith.constant 0 : i32
    %scan3A_4 = arith.constant 0 : i32
    %scan3A_5 = arith.constant 632 : i32
    %scan3A_6 = arith.addi %scan3A_4, %scan3A_5 : i32
    %scan3A_7 = arith.constant 1 : i32
    scf.for %scan3A_20 = %scan3A_4 to %scan3A_6 step %scan3A_7  : i32 {
      %mul3A_21 = arith.constant 16 : i32
      %mul3A_22 = arith.muli %scan3A_20, %mul3A_21 : i32
      %swap3A = arith.index_cast %mul3A_22 : i32 to index
      %swap3A_23 = tpu.vector_load %arg13[%swap3A] {strides = array<i32>} : memref<10112xf32, #tpu.memory_space<vmem>>, vector<16xf32>,
      tpu.vector_store %arg13[%swap3A], %broadcast_in_dim3A_3 {strides = array<i32>} : memref<10112xf32, #tpu.memory_space<vmem>>, vector<16xf32>,
    }
    %scan3A_8 = arith.constant 632 : i32
    %barrier3A = arith.constant 0 : index
    tpu.barrier barrier_id(%barrier3A)
    %broadcast_in_dim3A_9 = arith.constant 1.000000e+00 : f32
    %broadcast_in_dim3A_10 = vector.broadcast %broadcast_in_dim3A_9 : f32 to vector<16xf32>
    %mul3A_11 = arith.constant 10112 : i32
    %mul3A_12 = arith.muli %add3A, %mul3A_11 : i32
    %scan3A_13 = arith.constant 0 : i32
    %scan3A_14 = arith.constant 0 : i32
    %scan3A_15 = arith.constant 79 : i32
    %scan3A_16 = arith.addi %scan3A_14, %scan3A_15 : i32
    %scan3A_17 = arith.constant 1 : i32
    scf.for %scan3A_20 = %scan3A_14 to %scan3A_16 step %scan3A_17  : i32 {
      %mul3A_21 = arith.constant 128 : i32
      %mul3A_22 = arith.muli %scan3A_20, %mul3A_21 : i32
      %add3A_23 = arith.addi %mul3A_12, %mul3A_22 : i32
      "tpu.region"() ({
        %run_scoped3A_43 = tpu.sem_alloc : memref<!tpu.dma_semaphore, #tpu.memory_space<semaphore_mem>>
        %dma_start3A_44 = tpu.memref_slice %arg3[%add3A_23] : memref<323584xi32, #tpu.memory_space<hbm>> -> memref<128xi32, #tpu.memory_space<hbm>>
        %dma_start3A_45 = tpu.memref_slice %arg3[%add3A_23] : memref<323584xi32, #tpu.memory_space<hbm>> -> memref<128xi32, #tpu.memory_space<hbm>>
        tpu.enqueue_dma source(%dma_start3A_45 : memref<128xi32, #tpu.memory_space<hbm>>) target(%arg8 : memref<128xi32, #tpu.memory_space<vmem>>) target_semaphore(%run_scoped3A_43 : memref<!tpu.dma_semaphore, #tpu.memory_space<semaphore_mem>>)
        %dma_wait3A_46 = tpu.memref_slice %arg3[%add3A_23] : memref<323584xi32, #tpu.memory_space<hbm>> -> memref<128xi32, #tpu.memory_space<hbm>>
        %dma_wait3A_47 = tpu.memref_slice %arg3[%add3A_23] : memref<323584xi32, #tpu.memory_space<hbm>> -> memref<128xi32, #tpu.memory_space<hbm>>
        tpu.wait_dma2 semaphore(%run_scoped3A_43 : memref<!tpu.dma_semaphore, #tpu.memory_space<semaphore_mem>>) src(%dma_wait3A_47 : memref<128xi32, #tpu.memory_space<hbm>>) dst(%arg8 : memref<128xi32, #tpu.memory_space<vmem>>)
        tpu.yield
      }) : () -> ()
      "tpu.region"() ({
        %run_scoped3A_43 = tpu.sem_alloc : memref<!tpu.dma_semaphore, #tpu.memory_space<semaphore_mem>>
        %dma_start3A_44 = tpu.memref_slice %arg4[%add3A_23] : memref<323584xi32, #tpu.memory_space<hbm>> -> memref<128xi32, #tpu.memory_space<hbm>>
        %dma_start3A_45 = tpu.memref_slice %arg4[%add3A_23] : memref<323584xi32, #tpu.memory_space<hbm>> -> memref<128xi32, #tpu.memory_space<hbm>>
        tpu.enqueue_dma source(%dma_start3A_45 : memref<128xi32, #tpu.memory_space<hbm>>) target(%arg9 : memref<128xi32, #tpu.memory_space<vmem>>) target_semaphore(%run_scoped3A_43 : memref<!tpu.dma_semaphore, #tpu.memory_space<semaphore_mem>>)
        %dma_wait3A_46 = tpu.memref_slice %arg4[%add3A_23] : memref<323584xi32, #tpu.memory_space<hbm>> -> memref<128xi32, #tpu.memory_space<hbm>>
        %dma_wait3A_47 = tpu.memref_slice %arg4[%add3A_23] : memref<323584xi32, #tpu.memory_space<hbm>> -> memref<128xi32, #tpu.memory_space<hbm>>
        tpu.wait_dma2 semaphore(%run_scoped3A_43 : memref<!tpu.dma_semaphore, #tpu.memory_space<semaphore_mem>>) src(%dma_wait3A_47 : memref<128xi32, #tpu.memory_space<hbm>>) dst(%arg9 : memref<128xi32, #tpu.memory_space<vmem>>)
        tpu.yield
      }) : () -> ()
      %dma_start3A = arith.constant 0 : i32
      %dma_start3A_24 = arith.constant 0 : i32
      %dma_start3A_25 = tpu.memref_slice %arg2[%dma_start3A, %dma_start3A_24] : memref<10000x128xf32, #tpu.memory_space<hbm>> -> memref<10000x128xf32, #tpu.memory_space<hbm>>
      tpu.enqueue_indirect_dma source(%dma_start3A_25 : memref<10000x128xf32, #tpu.memory_space<hbm>>) target(%arg10 : memref<128x128xf32, #tpu.memory_space<vmem>>) offsets(%arg8 : memref<128xi32, #tpu.memory_space<vmem>>) semaphore(%arg12 : memref<!tpu.dma_semaphore, #tpu.memory_space<semaphore_mem>>)
      %dma_wait3A = arith.constant 0 : i32
      %dma_wait3A_26 = arith.constant 0 : i32
      %dma_wait3A_27 = tpu.memref_slice %arg2[%dma_wait3A, %dma_wait3A_26] : memref<10000x128xf32, #tpu.memory_space<hbm>> -> memref<10000x128xf32, #tpu.memory_space<hbm>>
      tpu.wait_indirect_dma semaphore(%arg12 : memref<!tpu.dma_semaphore, #tpu.memory_space<semaphore_mem>>) src(%dma_wait3A_27 : memref<10000x128xf32, #tpu.memory_space<hbm>>) dst(%arg10 : memref<128x128xf32, #tpu.memory_space<vmem>>)
      "tpu.region"() ({
        %run_scoped3A_43 = tpu.sem_alloc : memref<!tpu.dma_semaphore, #tpu.memory_space<semaphore_mem>>
        %dma_start3A_44 = arith.constant 0 : i32
        %dma_start3A_45 = arith.constant 0 : i32
        %dma_start3A_46 = tpu.memref_slice %arg11[%dma_start3A_44, %dma_start3A_45] : memref<10112x128xf32, #tpu.memory_space<vmem_shared>> -> memref<10112x128xf32, #tpu.memory_space<vmem_shared>>
        tpu.enqueue_indirect_dma source(%arg10 : memref<128x128xf32, #tpu.memory_space<vmem>>) target(%dma_start3A_46 : memref<10112x128xf32, #tpu.memory_space<vmem_shared>>) offsets(%arg9 : memref<128xi32, #tpu.memory_space<vmem>>) semaphore(%run_scoped3A_43 : memref<!tpu.dma_semaphore, #tpu.memory_space<semaphore_mem>>) {add = true}
        %dma_wait3A_47 = arith.constant 0 : i32
        %dma_wait3A_48 = arith.constant 0 : i32
        %dma_wait3A_49 = tpu.memref_slice %arg11[%dma_wait3A_47, %dma_wait3A_48] : memref<10112x128xf32, #tpu.memory_space<vmem_shared>> -> memref<10112x128xf32, #tpu.memory_space<vmem_shared>>
        tpu.wait_indirect_dma semaphore(%run_scoped3A_43 : memref<!tpu.dma_semaphore, #tpu.memory_space<semaphore_mem>>) src(%arg10 : memref<128x128xf32, #tpu.memory_space<vmem>>) dst(%dma_wait3A_49 : memref<10112x128xf32, #tpu.memory_space<vmem_shared>>)
        tpu.yield
      }) : () -> ()
      %get3A = arith.constant 0 : index
      %get3A_28 = tpu.vector_load %arg9[%get3A] {strides = array<i32>} : memref<128xi32, #tpu.memory_space<vmem>>, vector<16xi32>,
      tpu.vector_store_idx %arg13[%get3A_28], %broadcast_in_dim3A_10 {add = true} : memref<10112xf32, #tpu.memory_space<vmem>>[vector<16xi32>], vector<16xf32>,
      %get3A_29 = arith.constant 16 : index
      %get3A_30 = tpu.vector_load %arg9[%get3A_29] {strides = array<i32>} : memref<128xi32, #tpu.memory_space<vmem>>, vector<16xi32>,
      tpu.vector_store_idx %arg13[%get3A_30], %broadcast_in_dim3A_10 {add = true} : memref<10112xf32, #tpu.memory_space<vmem>>[vector<16xi32>], vector<16xf32>,
      %get3A_31 = arith.constant 32 : index
      %get3A_32 = tpu.vector_load %arg9[%get3A_31] {strides = array<i32>} : memref<128xi32, #tpu.memory_space<vmem>>, vector<16xi32>,
      tpu.vector_store_idx %arg13[%get3A_32], %broadcast_in_dim3A_10 {add = true} : memref<10112xf32, #tpu.memory_space<vmem>>[vector<16xi32>], vector<16xf32>,
      %get3A_33 = arith.constant 48 : index
      %get3A_34 = tpu.vector_load %arg9[%get3A_33] {strides = array<i32>} : memref<128xi32, #tpu.memory_space<vmem>>, vector<16xi32>,
      tpu.vector_store_idx %arg13[%get3A_34], %broadcast_in_dim3A_10 {add = true} : memref<10112xf32, #tpu.memory_space<vmem>>[vector<16xi32>], vector<16xf32>,
      %get3A_35 = arith.constant 64 : index
      %get3A_36 = tpu.vector_load %arg9[%get3A_35] {strides = array<i32>} : memref<128xi32, #tpu.memory_space<vmem>>, vector<16xi32>,
      tpu.vector_store_idx %arg13[%get3A_36], %broadcast_in_dim3A_10 {add = true} : memref<10112xf32, #tpu.memory_space<vmem>>[vector<16xi32>], vector<16xf32>,
      %get3A_37 = arith.constant 80 : index
      %get3A_38 = tpu.vector_load %arg9[%get3A_37] {strides = array<i32>} : memref<128xi32, #tpu.memory_space<vmem>>, vector<16xi32>,
      tpu.vector_store_idx %arg13[%get3A_38], %broadcast_in_dim3A_10 {add = true} : memref<10112xf32, #tpu.memory_space<vmem>>[vector<16xi32>], vector<16xf32>,
      %get3A_39 = arith.constant 96 : index
      %get3A_40 = tpu.vector_load %arg9[%get3A_39] {strides = array<i32>} : memref<128xi32, #tpu.memory_space<vmem>>, vector<16xi32>,
      tpu.vector_store_idx %arg13[%get3A_40], %broadcast_in_dim3A_10 {add = true} : memref<10112xf32, #tpu.memory_space<vmem>>[vector<16xi32>], vector<16xf32>,
      %get3A_41 = arith.constant 112 : index
      %get3A_42 = tpu.vector_load %arg9[%get3A_41] {strides = array<i32>} : memref<128xi32, #tpu.memory_space<vmem>>, vector<16xi32>,
      tpu.vector_store_idx %arg13[%get3A_42], %broadcast_in_dim3A_10 {add = true} : memref<10112xf32, #tpu.memory_space<vmem>>[vector<16xi32>], vector<16xf32>,
    }
    %scan3A_18 = arith.constant 79 : i32
    %barrier3A_19 = arith.constant 0 : index
    tpu.barrier barrier_id(%barrier3A_19)
    "tpu.region"() ({
      %run_scoped3A_20 = tpu.sem_alloc : memref<!tpu.dma_semaphore, #tpu.memory_space<semaphore_mem>>
      %dma_start3A = arith.constant 0 : i32
      %dma_start3A_21 = tpu.memref_slice %arg6[%arg0, %mul3A_2, %dma_start3A] : memref<2x10112x128xf32, #tpu.memory_space<hbm>> -> memref<1x632x128xf32, #tpu.memory_space<hbm>>
      %dma_start3A_22 = tpu.memref_squeeze %dma_start3A_21 : memref<1x632x128xf32, #tpu.memory_space<hbm>> -> memref<632x128xf32, #tpu.memory_space<hbm>>
      %dma_start3A_23 = arith.constant 0 : i32
      %dma_start3A_24 = tpu.memref_slice %arg11[%mul3A_2, %dma_start3A_23] : memref<10112x128xf32, #tpu.memory_space<vmem_shared>> -> memref<632x128xf32, #tpu.memory_space<vmem_shared>>
      tpu.enqueue_dma source(%dma_start3A_24 : memref<632x128xf32, #tpu.memory_space<vmem_shared>>) target(%dma_start3A_22 : memref<632x128xf32, #tpu.memory_space<hbm>>) target_semaphore(%run_scoped3A_20 : memref<!tpu.dma_semaphore, #tpu.memory_space<semaphore_mem>>)
      %dma_wait3A = arith.constant 0 : i32
      %dma_wait3A_25 = tpu.memref_slice %arg6[%arg0, %mul3A_2, %dma_wait3A] : memref<2x10112x128xf32, #tpu.memory_space<hbm>> -> memref<1x632x128xf32, #tpu.memory_space<hbm>>
      %dma_wait3A_26 = tpu.memref_squeeze %dma_wait3A_25 : memref<1x632x128xf32, #tpu.memory_space<hbm>> -> memref<632x128xf32, #tpu.memory_space<hbm>>
      %dma_wait3A_27 = arith.constant 0 : i32
      %dma_wait3A_28 = tpu.memref_slice %arg11[%mul3A_2, %dma_wait3A_27] : memref<10112x128xf32, #tpu.memory_space<vmem_shared>> -> memref<632x128xf32, #tpu.memory_space<vmem_shared>>
      tpu.wait_dma2 semaphore(%run_scoped3A_20 : memref<!tpu.dma_semaphore, #tpu.memory_space<semaphore_mem>>) src(%dma_wait3A_28 : memref<632x128xf32, #tpu.memory_space<vmem_shared>>) dst(%dma_wait3A_26 : memref<632x128xf32, #tpu.memory_space<hbm>>)
      tpu.yield
    }) : () -> ()
    %run_scoped3A = arith.constant 0 : i32
    "tpu.region"() ({
      %run_scoped3A_20 = tpu.sem_alloc : memref<!tpu.dma_semaphore, #tpu.memory_space<semaphore_mem>>
      %dma_start3A = arith.constant 0 : i32
      %dma_start3A_21 = tpu.memref_slice %arg7[%add3A, %run_scoped3A, %dma_start3A] : memref<32x1x10112xf32, #tpu.memory_space<hbm>> -> memref<1x1x10112xf32, #tpu.memory_space<hbm>>
      %dma_start3A_22 = tpu.memref_squeeze %dma_start3A_21 : memref<1x1x10112xf32, #tpu.memory_space<hbm>> -> memref<10112xf32, #tpu.memory_space<hbm>>
      %dma_start3A_23 = arith.constant 0 : i32
      %dma_start3A_24 = tpu.memref_slice %arg7[%add3A, %run_scoped3A, %dma_start3A_23] : memref<32x1x10112xf32, #tpu.memory_space<hbm>> -> memref<1x1x10112xf32, #tpu.memory_space<hbm>>
      %dma_start3A_25 = tpu.memref_squeeze %dma_start3A_24 : memref<1x1x10112xf32, #tpu.memory_space<hbm>> -> memref<10112xf32, #tpu.memory_space<hbm>>
      tpu.enqueue_dma source(%arg13 : memref<10112xf32, #tpu.memory_space<vmem>>) target(%dma_start3A_25 : memref<10112xf32, #tpu.memory_space<hbm>>) target_semaphore(%run_scoped3A_20 : memref<!tpu.dma_semaphore, #tpu.memory_space<semaphore_mem>>)
      %dma_wait3A = arith.constant 0 : i32
      %dma_wait3A_26 = tpu.memref_slice %arg7[%add3A, %run_scoped3A, %dma_wait3A] : memref<32x1x10112xf32, #tpu.memory_space<hbm>> -> memref<1x1x10112xf32, #tpu.memory_space<hbm>>
      %dma_wait3A_27 = tpu.memref_squeeze %dma_wait3A_26 : memref<1x1x10112xf32, #tpu.memory_space<hbm>> -> memref<10112xf32, #tpu.memory_space<hbm>>
      %dma_wait3A_28 = arith.constant 0 : i32
      %dma_wait3A_29 = tpu.memref_slice %arg7[%add3A, %run_scoped3A, %dma_wait3A_28] : memref<32x1x10112xf32, #tpu.memory_space<hbm>> -> memref<1x1x10112xf32, #tpu.memory_space<hbm>>
      %dma_wait3A_30 = tpu.memref_squeeze %dma_wait3A_29 : memref<1x1x10112xf32, #tpu.memory_space<hbm>> -> memref<10112xf32, #tpu.memory_space<hbm>>
      tpu.wait_dma2 semaphore(%run_scoped3A_20 : memref<!tpu.dma_semaphore, #tpu.memory_space<semaphore_mem>>) src(%arg13 : memref<10112xf32, #tpu.memory_space<vmem>>) dst(%dma_wait3A_30 : memref<10112xf32, #tpu.memory_space<hbm>>)
      tpu.yield
    }) : () -> ()
    return
  }
}

module attributes {stable_mosaic.version = 14 : i64} {
  func.func @_dense_body(%arg0: i32, %arg1: memref<2x1000x128xf32, #tpu.memory_space<vmem>>, %arg2: memref<1000x32xf32, #tpu.memory_space<vmem>>, %arg3: memref<1000x128xf32, #tpu.memory_space<vmem>>, %arg4: memref<128x128xf32, #tpu.memory_space<vmem>>, %arg5: memref<128x128xf32, #tpu.memory_space<vmem>>, %arg6: memref<1x128xf32, #tpu.memory_space<vmem>>, %arg7: memref<1000x128xf32, #tpu.memory_space<vmem>>) attributes {dimension_semantics = [#tpu.dimension_semantics<arbitrary>], iteration_bounds = array<i64: 10>, scalar_prefetch = 0 : i64, scratch_operands = 0 : i64, tpu.core_type = #tpu.core_type<tc>, window_params = [{transform_indices = @transform_0, window_bounds = array<i64: 2, 1000, 128>}, {transform_indices = @transform_1, window_bounds = array<i64: 1000, 32>}, {transform_indices = @transform_2, window_bounds = array<i64: 1000, 128>}, {pipeline_mode = #tpu.pipeline_mode<synchronous>, transform_indices = @transform_3, window_bounds = array<i64: 128, 128>}, {pipeline_mode = #tpu.pipeline_mode<synchronous>, transform_indices = @transform_4, window_bounds = array<i64: 128, 128>}, {pipeline_mode = #tpu.pipeline_mode<synchronous>, transform_indices = @transform_5, window_bounds = array<i64: 1, 128>}, {transform_indices = @transform_6, window_bounds = array<i64: 1000, 128>}]} {
    %get3A = arith.constant 0 : index
    %get3A_0 = arith.constant 0 : index
    %get3A_1 = arith.constant 0 : index
    %get3A_2 = vector.load %arg1[%get3A, %get3A_0, %get3A_1] : memref<2x1000x128xf32, #tpu.memory_space<vmem>>, vector<2x1000x128xf32>
    %get3A_3 = arith.constant 0 : index
    %get3A_4 = arith.constant 0 : index
    %get3A_5 = vector.load %arg2[%get3A_3, %get3A_4] : memref<1000x32xf32, #tpu.memory_space<vmem>>, vector<1000x32xf32>
    %reduce_sum3A = arith.constant dense<0.000000e+00> : vector<1000xf32>
    %reduce_sum3A_6 = vector.multi_reduction <add>, %get3A_5, %reduce_sum3A [1] : vector<1000x32xf32> to vector<1000xf32>
    %broadcast_in_dim3A = vector.shape_cast %reduce_sum3A_6 : vector<1000xf32> to vector<1000x1xf32>
    %slice3A = vector.extract_strided_slice %get3A_2 {offsets = [0, 0, 0], sizes = [1, 1000, 128], strides = [1, 1, 1]} : vector<2x1000x128xf32> to vector<1x1000x128xf32>
    %squeeze3A = vector.shape_cast %slice3A : vector<1x1000x128xf32> to vector<1000x128xf32>
    %slice3A_7 = vector.extract_strided_slice %get3A_2 {offsets = [1, 0, 0], sizes = [1, 1000, 128], strides = [1, 1, 1]} : vector<2x1000x128xf32> to vector<1x1000x128xf32>
    %squeeze3A_8 = vector.shape_cast %slice3A_7 : vector<1x1000x128xf32> to vector<1000x128xf32>
    %add3A = arith.addf %squeeze3A, %squeeze3A_8 : vector<1000x128xf32>
    %max3A = arith.constant 1.000000e+00 : f32
    %max3A_9 = vector.broadcast %max3A : f32 to vector<1000x1xf32>
    %max3A_10 = arith.maximumf %broadcast_in_dim3A, %max3A_9 : vector<1000x1xf32>
    %div3A = vector.broadcast %max3A_10 : vector<1000x1xf32> to vector<1000x128xf32>
    %div3A_11 = arith.divf %add3A, %div3A : vector<1000x128xf32>
    %get3A_12 = arith.constant 0 : index
    %get3A_13 = arith.constant 0 : index
    %get3A_14 = vector.load %arg4[%get3A_12, %get3A_13] : memref<128x128xf32, #tpu.memory_space<vmem>>, vector<128x128xf32>
    %dot_general3A = arith.constant dense<0.000000e+00> : vector<1000x128xf32>
    %dot_general3A_15 = tpu.matmul %div3A_11, %get3A_14, %dot_general3A {dimension_numbers = #tpu.dot_dimension_numbers<[1], [1], [0], [0], [0, 0, 1, 0], [], []>, transpose_lhs_hint = false} : vector<1000x128xf32>, vector<128x128xf32>, vector<1000x128xf32> -> vector<1000x128xf32>
    %get3A_16 = arith.constant 0 : index
    %get3A_17 = arith.constant 0 : index
    %get3A_18 = vector.load %arg3[%get3A_16, %get3A_17] : memref<1000x128xf32, #tpu.memory_space<vmem>>, vector<1000x128xf32>
    %get3A_19 = arith.constant 0 : index
    %get3A_20 = arith.constant 0 : index
    %get3A_21 = vector.load %arg5[%get3A_19, %get3A_20] : memref<128x128xf32, #tpu.memory_space<vmem>>, vector<128x128xf32>
    %dot_general3A_22 = arith.constant dense<0.000000e+00> : vector<1000x128xf32>
    %dot_general3A_23 = tpu.matmul %get3A_18, %get3A_21, %dot_general3A_22 {dimension_numbers = #tpu.dot_dimension_numbers<[1], [1], [0], [0], [0, 0, 1, 0], [], []>, transpose_lhs_hint = false} : vector<1000x128xf32>, vector<128x128xf32>, vector<1000x128xf32> -> vector<1000x128xf32>
    %add3A_24 = arith.addf %dot_general3A_15, %dot_general3A_23 : vector<1000x128xf32>
    %get3A_25 = arith.constant 0 : index
    %get3A_26 = arith.constant 0 : index
    %get3A_27 = vector.load %arg6[%get3A_25, %get3A_26] : memref<1x128xf32, #tpu.memory_space<vmem>>, vector<1x128xf32>
    %add3A_28 = vector.broadcast %get3A_27 : vector<1x128xf32> to vector<1000x128xf32>
    %add3A_29 = arith.addf %add3A_24, %add3A_28 : vector<1000x128xf32>
    %max3A_30 = arith.constant 0.000000e+00 : f32
    %max3A_31 = vector.broadcast %max3A_30 : f32 to vector<1000x128xf32>
    %max3A_32 = arith.maximumf %add3A_29, %max3A_31 : vector<1000x128xf32>
    %swap3A = arith.constant 0 : index
    %swap3A_33 = arith.constant 0 : index
    %swap3A_34 = vector.load %arg7[%swap3A, %swap3A_33] : memref<1000x128xf32, #tpu.memory_space<vmem>>, vector<1000x128xf32>
    tpu.vector_store %arg7[%swap3A, %swap3A_33], %max3A_32 {strides = array<i32>} : memref<1000x128xf32, #tpu.memory_space<vmem>>, vector<1000x128xf32>,
    return
  }
  func.func @transform_0(%arg0: i32) -> (i32, i32, i32) {
    %c0_i32 = arith.constant 0 : i32
    %c0_i32_0 = arith.constant 0 : i32
    %c0_i32_1 = arith.constant 0 : i32
    return %c0_i32, %arg0, %c0_i32_0 : i32, i32, i32
  }
  func.func @transform_1(%arg0: i32) -> (i32, i32) {
    %c0_i32 = arith.constant 0 : i32
    %c0_i32_0 = arith.constant 0 : i32
    return %arg0, %c0_i32 : i32, i32
  }
  func.func @transform_2(%arg0: i32) -> (i32, i32) {
    %c0_i32 = arith.constant 0 : i32
    %c0_i32_0 = arith.constant 0 : i32
    return %arg0, %c0_i32 : i32, i32
  }
  func.func @transform_3(%arg0: i32) -> (i32, i32) {
    %c0_i32 = arith.constant 0 : i32
    %c0_i32_0 = arith.constant 0 : i32
    %c0_i32_1 = arith.constant 0 : i32
    return %c0_i32, %c0_i32_0 : i32, i32
  }
  func.func @transform_4(%arg0: i32) -> (i32, i32) {
    %c0_i32 = arith.constant 0 : i32
    %c0_i32_0 = arith.constant 0 : i32
    %c0_i32_1 = arith.constant 0 : i32
    return %c0_i32, %c0_i32_0 : i32, i32
  }
  func.func @transform_5(%arg0: i32) -> (i32, i32) {
    %c0_i32 = arith.constant 0 : i32
    %c0_i32_0 = arith.constant 0 : i32
    %c0_i32_1 = arith.constant 0 : i32
    return %c0_i32, %c0_i32_0 : i32, i32
  }
  func.func @transform_6(%arg0: i32) -> (i32, i32) {
    %c0_i32 = arith.constant 0 : i32
    %c0_i32_0 = arith.constant 0 : i32
    return %arg0, %c0_i32 : i32, i32
  }
}

module attributes {stable_mosaic.version = 14 : i64} {
  func.func @_dense_body(%arg0: i32, %arg1: memref<2x1000x128xf32, #tpu.memory_space<vmem>>, %arg2: memref<1000x32xf32, #tpu.memory_space<vmem>>, %arg3: memref<1000x128xf32, #tpu.memory_space<vmem>>, %arg4: memref<128x128xf32, #tpu.memory_space<vmem>>, %arg5: memref<128x128xf32, #tpu.memory_space<vmem>>, %arg6: memref<1x128xf32, #tpu.memory_space<vmem>>, %arg7: memref<1000x128xf32, #tpu.memory_space<vmem>>) attributes {dimension_semantics = [#tpu.dimension_semantics<arbitrary>], iteration_bounds = array<i64: 10>, scalar_prefetch = 0 : i64, scratch_operands = 0 : i64, tpu.core_type = #tpu.core_type<tc>, window_params = [{transform_indices = @transform_0, window_bounds = array<i64: 2, 1000, 128>}, {transform_indices = @transform_1, window_bounds = array<i64: 1000, 32>}, {transform_indices = @transform_2, window_bounds = array<i64: 1000, 128>}, {pipeline_mode = #tpu.pipeline_mode<synchronous>, transform_indices = @transform_3, window_bounds = array<i64: 128, 128>}, {pipeline_mode = #tpu.pipeline_mode<synchronous>, transform_indices = @transform_4, window_bounds = array<i64: 128, 128>}, {pipeline_mode = #tpu.pipeline_mode<synchronous>, transform_indices = @transform_5, window_bounds = array<i64: 1, 128>}, {transform_indices = @transform_6, window_bounds = array<i64: 1000, 128>}]} {
    %get3A = arith.constant 0 : index
    %get3A_0 = arith.constant 0 : index
    %get3A_1 = arith.constant 0 : index
    %get3A_2 = vector.load %arg1[%get3A, %get3A_0, %get3A_1] : memref<2x1000x128xf32, #tpu.memory_space<vmem>>, vector<2x1000x128xf32>
    %get3A_3 = arith.constant 0 : index
    %get3A_4 = arith.constant 0 : index
    %get3A_5 = vector.load %arg2[%get3A_3, %get3A_4] : memref<1000x32xf32, #tpu.memory_space<vmem>>, vector<1000x32xf32>
    %reduce_sum3A = arith.constant dense<0.000000e+00> : vector<1000xf32>
    %reduce_sum3A_6 = vector.multi_reduction <add>, %get3A_5, %reduce_sum3A [1] : vector<1000x32xf32> to vector<1000xf32>
    %broadcast_in_dim3A = vector.shape_cast %reduce_sum3A_6 : vector<1000xf32> to vector<1000x1xf32>
    %slice3A = vector.extract_strided_slice %get3A_2 {offsets = [0, 0, 0], sizes = [1, 1000, 128], strides = [1, 1, 1]} : vector<2x1000x128xf32> to vector<1x1000x128xf32>
    %squeeze3A = vector.shape_cast %slice3A : vector<1x1000x128xf32> to vector<1000x128xf32>
    %slice3A_7 = vector.extract_strided_slice %get3A_2 {offsets = [1, 0, 0], sizes = [1, 1000, 128], strides = [1, 1, 1]} : vector<2x1000x128xf32> to vector<1x1000x128xf32>
    %squeeze3A_8 = vector.shape_cast %slice3A_7 : vector<1x1000x128xf32> to vector<1000x128xf32>
    %add3A = arith.addf %squeeze3A, %squeeze3A_8 : vector<1000x128xf32>
    %max3A = arith.constant 1.000000e+00 : f32
    %max3A_9 = vector.broadcast %max3A : f32 to vector<1000x1xf32>
    %max3A_10 = arith.maximumf %broadcast_in_dim3A, %max3A_9 : vector<1000x1xf32>
    %div3A = vector.broadcast %max3A_10 : vector<1000x1xf32> to vector<1000x128xf32>
    %div3A_11 = arith.divf %add3A, %div3A : vector<1000x128xf32>
    %get3A_12 = arith.constant 0 : index
    %get3A_13 = arith.constant 0 : index
    %get3A_14 = vector.load %arg4[%get3A_12, %get3A_13] : memref<128x128xf32, #tpu.memory_space<vmem>>, vector<128x128xf32>
    %dot_general3A = arith.constant dense<0.000000e+00> : vector<1000x128xf32>
    %dot_general3A_15 = tpu.matmul %div3A_11, %get3A_14, %dot_general3A {dimension_numbers = #tpu.dot_dimension_numbers<[1], [1], [0], [0], [0, 0, 1, 0], [], []>, transpose_lhs_hint = false} : vector<1000x128xf32>, vector<128x128xf32>, vector<1000x128xf32> -> vector<1000x128xf32>
    %get3A_16 = arith.constant 0 : index
    %get3A_17 = arith.constant 0 : index
    %get3A_18 = vector.load %arg3[%get3A_16, %get3A_17] : memref<1000x128xf32, #tpu.memory_space<vmem>>, vector<1000x128xf32>
    %get3A_19 = arith.constant 0 : index
    %get3A_20 = arith.constant 0 : index
    %get3A_21 = vector.load %arg5[%get3A_19, %get3A_20] : memref<128x128xf32, #tpu.memory_space<vmem>>, vector<128x128xf32>
    %dot_general3A_22 = arith.constant dense<0.000000e+00> : vector<1000x128xf32>
    %dot_general3A_23 = tpu.matmul %get3A_18, %get3A_21, %dot_general3A_22 {dimension_numbers = #tpu.dot_dimension_numbers<[1], [1], [0], [0], [0, 0, 1, 0], [], []>, transpose_lhs_hint = false} : vector<1000x128xf32>, vector<128x128xf32>, vector<1000x128xf32> -> vector<1000x128xf32>
    %add3A_24 = arith.addf %dot_general3A_15, %dot_general3A_23 : vector<1000x128xf32>
    %get3A_25 = arith.constant 0 : index
    %get3A_26 = arith.constant 0 : index
    %get3A_27 = vector.load %arg6[%get3A_25, %get3A_26] : memref<1x128xf32, #tpu.memory_space<vmem>>, vector<1x128xf32>
    %add3A_28 = vector.broadcast %get3A_27 : vector<1x128xf32> to vector<1000x128xf32>
    %add3A_29 = arith.addf %add3A_24, %add3A_28 : vector<1000x128xf32>
    %swap3A = arith.constant 0 : index
    %swap3A_30 = arith.constant 0 : index
    %swap3A_31 = vector.load %arg7[%swap3A, %swap3A_30] : memref<1000x128xf32, #tpu.memory_space<vmem>>, vector<1000x128xf32>
    tpu.vector_store %arg7[%swap3A, %swap3A_30], %add3A_29 {strides = array<i32>} : memref<1000x128xf32, #tpu.memory_space<vmem>>, vector<1000x128xf32>,
    return
  }
  func.func @transform_0(%arg0: i32) -> (i32, i32, i32) {
    %c0_i32 = arith.constant 0 : i32
    %c0_i32_0 = arith.constant 0 : i32
    %c0_i32_1 = arith.constant 0 : i32
    return %c0_i32, %arg0, %c0_i32_0 : i32, i32, i32
  }
  func.func @transform_1(%arg0: i32) -> (i32, i32) {
    %c0_i32 = arith.constant 0 : i32
    %c0_i32_0 = arith.constant 0 : i32
    return %arg0, %c0_i32 : i32, i32
  }
  func.func @transform_2(%arg0: i32) -> (i32, i32) {
    %c0_i32 = arith.constant 0 : i32
    %c0_i32_0 = arith.constant 0 : i32
    return %arg0, %c0_i32 : i32, i32
  }
  func.func @transform_3(%arg0: i32) -> (i32, i32) {
    %c0_i32 = arith.constant 0 : i32
    %c0_i32_0 = arith.constant 0 : i32
    %c0_i32_1 = arith.constant 0 : i32
    return %c0_i32, %c0_i32_0 : i32, i32
  }
  func.func @transform_4(%arg0: i32) -> (i32, i32) {
    %c0_i32 = arith.constant 0 : i32
    %c0_i32_0 = arith.constant 0 : i32
    %c0_i32_1 = arith.constant 0 : i32
    return %c0_i32, %c0_i32_0 : i32, i32
  }
  func.func @transform_5(%arg0: i32) -> (i32, i32) {
    %c0_i32 = arith.constant 0 : i32
    %c0_i32_0 = arith.constant 0 : i32
    %c0_i32_1 = arith.constant 0 : i32
    return %c0_i32, %c0_i32_0 : i32, i32
  }
  func.func @transform_6(%arg0: i32) -> (i32, i32) {
    %c0_i32 = arith.constant 0 : i32
    %c0_i32_0 = arith.constant 0 : i32
    return %arg0, %c0_i32 : i32, i32
  }
}

</mosaic_0001>

<sc_bundles>
// kernel: kernel.6.cloned.1.call-start
scs
__scs_entry_jumppad:
0x0: {  	(pc) =	sbr.rel $0x88, $3  }
0x1: {  	(tag) =	ssettag $0x0;
	lr =	simm.s32 $0x1  }
0x2: {  	[smem:$0x3F99] =	sst lr;
	_ =	strace $0xD0000000  }
0x3: {  	_ = 	snop  }
0x4: {  	_ = 	snop  }
0x5: {  	_ = 	snop  }
0x6: {  	_ = 	snop  }
0x7: {  	_ = 	snop  }
__scs_overlays_trampoline_lowered:
0x8: {  	[smem:$0x3FA8] =	sst s0  }
0x9: {  	[smem:$0x3FA9] =	sst s1  }
0xa: {  	[smem:$0x3FAA] =	sst s2  }
0xb: {  	[smem:$0x3FAB] =	sst s3  }
0xc: {  	[smem:$0x3FAC] =	sst s4  }
0xd: {  	[smem:$0x3FAD] =	sst s5  }
0xe: {  	[smem:$0x3FAE] =	sst s6  }
0xf: {  	[smem:$0x3FAF] =	sst s7  }
0x10: {  	[smem:$0x3FB0] =	sst s8  }
0x11: {  	[smem:$0x3FB1] =	sst s9;
	s0 =	simm.s32 @!p0 $0x0  }
0x12: {  	s1 =	sld [smem:$0x3F97];
	s0 =	simm.s32 @p0 $0x1  }
0x13: {  	[smem:$0x3FB2] =	sst s0;
	s0 =	simm.s32 @!p1 $0x0  }
0x14: {  	s2 =	sld [smem:$0x3F96];
	s0 =	simm.s32 @p1 $0x1  }
0x15: {  	[smem:$0x3FB3] =	sst s0;
	s0 =	simm.s32 @!p2 $0x0  }
0x16: {  	s3 =	sld [smem:$0x3FDB];
	s0 =	simm.s32 @p2 $0x1  }
0x17: {  	s4 =	simm.s32 $0x1BF5;
	[smem:$0x3FB5] =	sst s0  }
0x18: {  	s0 =	sld [smem:$0x3F98];
	_ =	swait.ge [sflag:s4], $0x0  }
0x19: {  	s7 =	sld [smem:$0x3F99]  }
0x1a: {  	s8 =	sadd.s32 $0xFFFFE003, lr  }
0x1b: {  	s9 =	sadd.s32 $0xFFFFFEF7, lr;
	s5 =	simm.s32 $0xFFFFFFFF;
	p2 =	slt.u32 s8, $0xFFFFF086  }
0x1c: {  	p1 =	slt.u32 s9, $0xF7A;
	s5 =	simm.s32 @!p2 $0x0  }
0x1d: {  	s5 =	simm.s32 @p1 $0x1;
	p0 =	seq.s32 s7, s2  }
0x1e: {  	s7 =	smul.u32 @!p0 $0xF7A, s2;
	p2 =	seq.s32 @!p0 s5, $0x0  }
0x1f: {  	s9 =	smul.u32 $0xF7A, s1;
	s8 =	simm.s32 @!p0 $0x1BF5;
	p2 =	por !p2, p0  }
0x20: {  	[sflag:s8] =	ssyncset.s32 @!p0 $0xFFFFF086;
	s6 =	sadd.s32 @!p0 s3, s7;
	s7 =	simm.s32 @!p0 $0x108  }
0x21: {  	s3 =	sadd.s32 s3, s9;
	s6 =	sadd.s32 @!p0 $0x88, s6;
	s7 =	simm.s32 @p2 $0x1082  }
0x22: {  	[simem:s7], [sflag:s8] =	dma.local @!p0 [hbm:s6], $0xF7A  }
0x23: {  	s9 =	sor.u32 $0xD0000000, s2;
	s6 =	simm.s32 $0x108;
	_ =	swait.ge @!p0 [sflag:s8], $0x0  }
0x24: {  	s3 =	sadd.s32 $0x88, s3;
	s6 =	simm.s32 @!p1 $0x1082;
	[sflag:s4] =	ssyncset.s32 $0xFFFFF086  }
0x25: {  	[simem:s6], [sflag:s4] =	dma.local [hbm:s3], $0xF7A  }
0x26: {  	[smem:$0x3F99] =	sst s1;
	(tag) =	ssettag s2;
	_ =	strace s9  }
0x27: {  	s1 =	sld [smem:$0x3FA9]  }
0x28: {  	s2 =	sld [smem:$0x3FAA]  }
0x29: {  	s4 =	sld [smem:$0x3FAC]  }
0x2a: {  	p0 =	seq.s32 s5, $0x0;
	s5 =	sld [smem:$0x3FAD]  }
0x2b: {  	s6 =	sld [smem:$0x3FAE]  }
0x2c: {  	s7 =	sld [smem:$0x3FAF]  }
0x2d: {  	s3 =	simm.s32 $0x108;
	s8 =	sld [smem:$0x3FB0]  }
0x2e: {  	s3 =	simm.s32 @!p0 $0x1082;
	s9 =	sld [smem:$0x3FB1]  }
0x2f: {  	lr =	sadd.s32 s0, s3;
	s0 =	sld [smem:$0x3FA8]  }
0x30: {  	s3 =	sld [smem:$0x3FAB]  }
0x31: {  	[smem:$0x3FB4] =	sst s10  }
0x32: {  	s10 =	sld [smem:$0x3FB2];
	_ =	sdelay $0x3  }
0x33: {  	p0 =	seq.s32 s10, $0x1;
	s10 =	sld [smem:$0x3FB4];
	_ =	sdelay $0x3  }
0x34: {  	[smem:$0x3FB4] =	sst s10  }
0x35: {  	s10 =	sld [smem:$0x3FB3];
	_ =	sdelay $0x3  }
0x36: {  	p1 =	seq.s32 s10, $0x1;
	s10 =	sld [smem:$0x3FB4];
	_ =	sdelay $0x3  }
0x37: {  	[smem:$0x3FB4] =	sst s10  }
0x38: {  	s10 =	sld [smem:$0x3FB5]  }
0x39: {  	_ = 	snop;
	(pc) =	sbr.ind lr, $3  }
0x3a: {  	_ = 	snop  }
0x3b: {  	_ = 	snop  }
0x3c: {  	p2 =	seq.s32 s10, $0x1;
	s10 =	sld [smem:$0x3FB4]  }
0x3d: {  	_ =	shalt  }
0x3e: {  	_ =	shalt  }
0x3f: {  	_ =	shalt  }
0x40: {  	_ =	shalt  }
0x41: {  	_ =	shalt  }
0x42: {  	_ =	shalt  }
0x43: {  	_ =	shalt  }
0x44: {  	_ =	shalt  }
0x45: {  	_ =	shalt  }
0x46: {  	_ =	shalt  }
0x47: {  	_ =	shalt  }
0x48: {  	_ =	shalt  }
0x49: {  	_ =	shalt  }
0x4a: {  	_ =	shalt  }
0x4b: {  	_ =	shalt  }
0x4c: {  	_ =	shalt  }
0x4d: {  	_ =	shalt  }
0x4e: {  	_ =	shalt  }
0x4f: {  	_ =	shalt  }
0x50: {  	_ =	shalt  }
0x51: {  	_ =	shalt  }
0x52: {  	_ =	shalt  }
0x53: {  	_ =	shalt  }
0x54: {  	_ =	shalt  }
0x55: {  	_ =	shalt  }
0x56: {  	_ =	shalt  }
0x57: {  	_ =	shalt  }
0x58: {  	_ =	shalt  }
0x59: {  	_ =	shalt  }
0x5a: {  	_ =	shalt  }
0x5b: {  	_ =	shalt  }
0x5c: {  	_ =	shalt  }
0x5d: {  	_ =	shalt  }
0x5e: {  	_ =	shalt  }
0x5f: {  	_ =	shalt  }
0x60: {  	_ =	shalt  }
0x61: {  	_ =	shalt  }
0x62: {  	_ =	shalt  }
0x63: {  	_ =	shalt  }
0x64: {  	_ =	shalt  }
0x65: {  	_ =	shalt  }
0x66: {  	_ =	shalt  }
0x67: {  	_ =	shalt  }
0x68: {  	_ =	shalt  }
0x69: {  	_ =	shalt  }
0x6a: {  	_ =	shalt  }
0x6b: {  	_ =	shalt  }
0x6c: {  	_ =	shalt  }
0x6d: {  	_ =	shalt  }
0x6e: {  	_ =	shalt  }
0x6f: {  	_ =	shalt  }
0x70: {  	_ =	shalt  }
0x71: {  	_ =	shalt  }
0x72: {  	_ =	shalt  }
0x73: {  	_ =	shalt  }
0x74: {  	_ =	shalt  }
0x75: {  	_ =	shalt  }
0x76: {  	_ =	shalt  }
0x77: {  	_ =	shalt  }
0x78: {  	_ =	shalt  }
0x79: {  	_ =	shalt  }
0x7a: {  	_ =	shalt  }
0x7b: {  	_ =	shalt  }
0x7c: {  	_ =	shalt  }
0x7d: {  	_ =	shalt  }
0x7e: {  	_ =	shalt  }
0x7f: {  	_ =	shalt  }
0x80: {  	_ =	shalt  }
0x81: {  	_ =	shalt  }
0x82: {  	_ =	shalt  }
0x83: {  	_ =	shalt  }
0x84: {  	_ =	shalt  }
0x85: {  	_ =	shalt  }
0x86: {  	_ =	shalt  }
0x87: {  	_ =	shalt  }
.Lfunc_end0:
.L_simem_size_0:
called_computation_lowered:
.L_overlay_start_0:
0x88: {  	s2 =	sld [smem:$0x3FD9]  }
0x89: {  	s3 =	sld [smem:$0x3FFE];
	_ =	sdelay $0x1  }
0x8a: {  	s1 =	srdreg.scid  }
0x8b: {  	s0 =	sand.u32 $0x1, s1  }
0x8c: {  	s17 =	sshll.u32 s0, $0xA;
	s2 =	sadd.s32 s3, s2  }
0x8d: {  	s2 =	sadd.s32 s2, s17  }
0x8e: {  	[smem:$0x3FC0] =	sst s2  }
0x8f: {  	_ = 	snop  }
0x90: {  	s2 =	sld [smem:$0x3FC9]  }
0x91: {  	s18 =	sld [smem:$0x3FD0];
	(tm) =	ssettm $0x1  }
0x92: {  	s4 =	sld [smem:$0x3FFB];
	_ =	sdelay $0x3  }
0x93: {  	_ =	strace s4  }
0x94: {  	s4 =	sld [smem:$0x3FFC];
	_ =	sdelay $0x3  }
0x95: {  	_ =	strace s4  }
0x96: {  	s4 =	sld [smem:$0x3FFD];
	_ =	sdelay $0x3  }
0x97: {  	_ =	strace s4  }
0x98: {  	_ =	strace $0x8FFFFFFF  }
0x99: {  	s19 =	sld [smem:$0x3FDB];
	_ =	sdelay $0x1  }
0x9a: {  	s5 =	simm.s32 $_scs_section_size  }
0x9b: {  	s6 =	simm.s32 $_size__tile_overlayer_lowered;
	s7 =	simm.s32 $_tile_overlayer_lowered  }
0x9c: {  	s22 =	simm.s32 $0x1BFF;
	s21 =	sshll.u32 s7, $0x1;
	s4 =	sadd.s32 s5, s19  }
0x9d: {  	s8 =	simm.s32 $0x0;
	s20 =	sshll.u32 s6, $0x1;
	s6 =	sadd.s32 s21, s4  }
0x9e: {  	[timem:s8], [sflag:s22] =	dma.local [hbm:s6], s20  }
0x9f: {  	_ =	swait.ge [sflag:s22], s20  }
0xa0: {  	s5 =	ssub.s32 $0x0, s20;
	[sflag:s22] =	ssyncset.done $0x0  }
0xa1: {  	[sflag:s22] =	ssyncadd.s32 s5;
	_ =	sdelay $0x1  }
0xa2: {  	s23 =	simm.s32 $0x1B8B  }
0xa3: {  	_ =	swait.ge [sflag:s23], $0x1  }
0xa4: {  	[sflag:s23] =	ssyncset.done $0x0  }
0xa5: {  	s25 =	simm.s32 $0x1B8E;
	s24 =	sld [smem:$0x3FFE];
	[sflag:s23] =	ssyncadd.s32 $0xFFFFFFFF  }
0xa6: {  	s26 =	simm.s32 $execute0_lowered;
	[smem:$0x3FD2] =	sst s25  }
0xa7: {  	s6 =	sshll.u32 s26, $0x1;
	_ =	strace $0x80000046;
	[dreg:$0x1] =	wrdreg $0xFFFFFFFF  }
0xa8: {  	s28 =	simm.s32 $_size_execute0_lowered;
	s4 =	sadd.s32 s4, s6;
	[dreg:$0x0] =	wrdreg $0x0  }
0xa9: {  	s6 =	sshll.u32 s28, $0x1;
	[dreg:$0x2] =	wrdreg s4  }
0xaa: {  	[dreg:$0x3] =	wrdreg s6  }
0xab: {  	[dreg:$0x4] =	wrdreg $0xC0  }
0xac: {  	_ =	task [dreg:s8], $0x5FFFF  }
0xad: {  	[dreg:$0x1] =	wrdreg $0xFFFFFFFF  }
0xae: {  	[dreg:$0x0] =	wrdreg $0x60  }
0xaf: {  	[dreg:$0x2] =	wrdreg s2  }
0xb0: {  	[dreg:$0x3] =	wrdreg s24  }
0xb1: {  	[dreg:$0x4] =	wrdreg s18  }
0xb2: {  	[dreg:$0x5] =	wrdreg $0x41000  }
0xb3: {  	[dreg:$0x6] =	wrdreg $0x9  }
0xb4: {  	_ =	task.clear_ibuf [dreg:s8], $0x7FFFF;
	_ =	strace $0x90000046  }
0xb5: {  	s29 =	simm.s32 $0x9;
	_ =	strace $0x80000048  }
0xb6: {  	_ =	swait.ge [sflag:s29], $0x1  }
0xb7: {  	[sflag:s29] =	ssyncadd.s32 $0xFFFFFFFF  }
0xb8: {  	_ =	strace $0x90000048  }
0xb9: {  	_ =	sfence  }
0xba: {  	s30 =	sld [smem:$0x0];
	_ =	sdelay $0x2  }
0xbb: {  	s31 =	sshll.u32 s1, $0xD;
	s1 =	sshrl.u32 s1, $0x2  }
0xbc: {  	s3 =	sand.u32 $0x4000, s31;
	s1 =	sadd.s32 s1, s30  }
0xbd: {  	s0 =	sor.u32 s3, s0;
	s1 =	sshll.u32 s1, $0x11  }
0xbe: {  	s0 =	sor.u32 s1, s0  }
0xbf: {  	s0 =	sadd.s32 $0x8F2B, s0  }
0xc0: {  	[sflag:s0] =	ssyncadd.remote.s32 $0x1  }
0xc1: {  	_ =	sfence.sel $0xFFFF  }
0xc2: {  	[dreg:$0x0] =	wrdreg $0xFFFFFFFF;
	(pc) =	sbr.abs _section_cstart, $3  }
0xc3: {  	[dreg:$0x1] =	wrdreg $0xFFFFFFFF  }
0xc4: {  	_ =	task.clear_ibuf [dreg:s8], $0x2FFFF;
	_ =	strace $0x9FFFFFFF  }
0xc5: {  	(tm) =	ssettm $0x7FFFFFFF  }
tec
execute0_lowered:
.L_overlay_start_1:
0x0: {  	(tag) =	ssettag $0x1  }
0x1: {  	s1 =	rddreg [dreg:$0x0]  }
0x2: {  	s5 =	rddreg [dreg:$0x1]  }
0x3: {  	s2 =	srdreg.scid;
	s8 =	rddreg [dreg:$0x2]  }
0x4: {  	s0 =	stileid.u32;
	s3 =	rddreg [dreg:$0x3]  }
0x5: {  	s4 =	simm.s32 $0x0;
	s15 =	simm.s32 $0x100;
	s7 =	smul.u32 $0x4F00, s0  }
0x6: {  	s16 =	simm.s32 $0x1;
	s17 =	simm.s32 $0x17D00;
	s10 =	smul.u32 $0x13C00, s0  }
0x7: {  	s6 =	sand.u32 $0x1, s2;
	s2 =	rddreg [dreg:$0x4];
	s26 =	smul.u32 $0x4F000, s0  }
0x8: {  	s18 =	simm.s32 $0x0;
	[smem:$0x7FF] =	sst s4;
	s9 =	smul.u32 $0x2780, s6  }
0x9: {  	s25 =	sshll.u32 s0, $0x1;
	s30 =	sshll.u32 s0, $0x6;
	s23 =	smul.u32 $0x13C000, s6  }
0xa: {  	_ =	strace $0x80000047;
	s28 =	ssub.s32 $0x2, s6;
	s6 =	sor.u32 s6, s25  }
0xb: {  	s11 =	sshrl.u32 s10, $0x3;
	s29 =	sshrl.u32 s28, $0x1;
	s13 =	smul.u32 $0x2780, s6  }
0xc: {  	s6 =	sor.u32 $0x1C02, s30;
	s7 =	sadd.s32 s9, s7;
	s24 =	sadd.s32 s11, s5  }
0xd: {  	s9 =	sadd.s32 s10, s23;
	s11 =	sshrl.u32 s26, $0x2;
	s10 =	ssub.s32 s28, s29  }
0xe: {  	s7 =	sshrl.u32 s7, $0x3;
	s9 =	sshrl.u32 s9, $0x3;
	s14 =	sadd.s32 s11, s3  }
0xf: {  	s31 =	sshrl.u32 s13, $0x3;
	s13 =	simm.s32 $0x2;
	s12 =	sadd.s32 s7, s5  }
0x10: {  	s9 =	sadd.s32 s9, s5;
	s5 =	sadd.s32 $0x15A00, s24;
	s8 =	sadd.s32 s8, s31  }
0x11: {  	s7 =	sadd.s32 $0x3D200, s9;
	s9 =	smax.u32 s10, $0x1;
	s10 =	sadd.s32 $0x1E00, s12  }
0x12: {  	v0 =	vimm.f32 $0.0e+00;
	v1 =	vimm.f32 $1.000000000e+00;
	s11 =	sadd.s32 $0xBC00, s12;
	s12 =	sshrl.u32 s14, $0x3;
	s14 =	simm.s32 $0x80  }
.LBB2_1:
0x13: {  	[spmem:s12], [sflag:s6] =	dma.local [hbm:s5], $0x2780  }
0x14: {  	_ =	swait.ge [sflag:s13], $0x2780  }
0x15: {  	[sflag:s13] =	ssyncset.done $0x0  }
0x16: {  	s19 =	simm.s32 $0x40;
	s20 =	simm.s32 $0x0;
	[sflag:s13] =	ssyncadd.s32 $0xFFFFD880  }
.LBB2_2:
0x17: {  	p0 =	sne.s32 s19, $0x9DC0;
	[tilespmem:s20+$0x17D00] =	vst v0;
	s20 =	smov.u32 s19;
	s19 =	sadd.s32 $0x40, s19  }
.Ltmp0:
0x18: {  	(pc) =	sbr.rel @p0 .LBB2_2-.Ltmp0, $2  }
0x19: {  	_ =	sdelay $0x2  }
0x1a: {  	s20 =	sshra.s32 s20, $0x2  }
0x1b: {  	[tilespmem:s20+$0x17D00] =	vst v0  }
0x1c: {  	s19 =	simm.s32 $0x0;
	[bflag:$0x0] =	sbarrier.arrive $0xFFFF  }
.LBB2_4:
0x1d: {  	s20 =	sadd.s32 s19, s11  }
0x1e: {  	[tilespmem:s4], [sflag:$0x2] =	stream.linear.gather [hbm4b:s20+s4], $0x80, $0x38;
	[tilespmem:$0x1A480] =	vst v63  }
0x1f: {  	_ =	swait.ge [sflag:s13], $0x80  }
0x20: {  	[sflag:s13] =	ssyncset.done $0x0  }
0x21: {  	s31 =	sadd.s32 s19, s10;
	[sflag:s13] =	ssyncadd.s32 $0xFFFFFF80  }
0x22: {  	[tilespmem:s14], [sflag:$0x2] =	stream.linear.gather [hbm4b:s31+s4], $0x80, $0x38;
	[tilespmem:$0x1A480] =	vst v63  }
0x23: {  	_ =	swait.ge [sflag:s13], $0x80  }
0x24: {  	[sflag:s13] =	ssyncset.done $0x0  }
0x25: {  	[sflag:s13] =	ssyncadd.s32 $0xFFFFFF80  }
0x26: {  	[tilespmem:s15], [sflag:$0x1] =	stream.indirect.gather [hbm4b:s1+s14], $0x80, s4, s14, $0xb8;
	[tilespmem:$0x1A480] =	vst v63  }
0x27: {  	_ =	swait.ge [sflag:s16], $0x4000  }
0x28: {  	[sflag:s16] =	ssyncset.done $0x0  }
0x29: {  	[sflag:s16] =	ssyncadd.s32 $0xFFFFC000  }
0x2a: {  	[spmem:s3] =	stream.indirect.scatter.add.f32 [tilespmem:s15], [sflag:$0x2], $0x80, s14, s14, $0xb8;
	[tilespmem:$0x1A480] =	vst v63  }
0x2b: {  	_ =	swait.ge [sflag:s13], $0x4000  }
0x2c: {  	[sflag:s13] =	ssyncset.done $0x0  }
0x2d: {  	[sflag:s13] =	ssyncadd.s32 $0xFFFFC000  }
0x2e: {  	v2 =	vld [tilespmem:$0x80];
	_ =	sdelay $0x7  }
0x2f: {  	[tilespmem:v2+s17+$0x0] =	vst.idx.add.f32.msk $0xffff, v1  }
0x30: {  	v2 =	vld [tilespmem:$0x90];
	_ =	sdelay $0x7  }
0x31: {  	[tilespmem:v2+s17+$0x0] =	vst.idx.add.f32.msk $0xffff, v1  }
0x32: {  	v2 =	vld [tilespmem:$0xA0];
	_ =	sdelay $0x7  }
0x33: {  	[tilespmem:v2+s17+$0x0] =	vst.idx.add.f32.msk $0xffff, v1  }
0x34: {  	v2 =	vld [tilespmem:$0xB0];
	_ =	sdelay $0x7  }
0x35: {  	[tilespmem:v2+s17+$0x0] =	vst.idx.add.f32.msk $0xffff, v1  }
0x36: {  	v2 =	vld [tilespmem:$0xC0];
	_ =	sdelay $0x7  }
0x37: {  	[tilespmem:v2+s17+$0x0] =	vst.idx.add.f32.msk $0xffff, v1  }
0x38: {  	v2 =	vld [tilespmem:$0xD0];
	_ =	sdelay $0x7  }
0x39: {  	[tilespmem:v2+s17+$0x0] =	vst.idx.add.f32.msk $0xffff, v1  }
0x3a: {  	v2 =	vld [tilespmem:$0xE0];
	_ =	sdelay $0x7  }
0x3b: {  	[tilespmem:v2+s17+$0x0] =	vst.idx.add.f32.msk $0xffff, v1  }
0x3c: {  	v2 =	vld [tilespmem:$0xF0];
	_ =	sdelay $0x2  }
0x3d: {  	p0 =	sne.s32 s19, $0x4E0  }
.Ltmp1:
0x3e: {  	_ = 	snop;
	(pc) =	sbr.rel @p0 .LBB2_4-.Ltmp1, $2  }
0x3f: {  	_ =	sdelay $0x2  }
0x40: {  	s19 =	sadd.s32 $0x10, s19;
	[tilespmem:v2+s17+$0x0] =	vst.idx.add.f32.msk $0xffff, v1  }
0x41: {  	[bflag:$0x0] =	sbarrier.arrive $0xFFFF  }
0x42: {  	[hbm:s7], [sflag:s6] =	dma.local [spmem:s12], $0x2780  }
0x43: {  	s18 =	sadd.s32 $0x1, s18;
	_ =	swait.ge [sflag:s13], $0x2780  }
0x44: {  	p0 =	sne.s32 s18, s9;
	[sflag:s13] =	ssyncset.done $0x0  }
.Ltmp2:
0x45: {  	[sflag:s13] =	ssyncadd.s32 $0xFFFFD880;
	(pc) =	sbr.rel @p0 .LBB2_1-.Ltmp2, $4  }
0x46: {  	[hbm4b:s8+s4] =	stream.linear.scatter [tilespmem:s17], [sflag:$0x2], $0x2780, $0x38;
	[tilespmem:$0x1A480] =	vst v63  }
0x47: {  	_ =	swait.ge [sflag:s13], $0x2780  }
0x48: {  	[sflag:s13] =	ssyncset.done $0x0  }
0x49: {  	[sflag:s13] =	ssyncadd.s32 $0xFFFFD880  }
0x4a: {  	_ =	sfence.sel $0x180000  }
0x4b: {  	[bflag:$0x0] =	sbarrier.arrive $0xFFFF  }
0x4c: {  	p0 =	sne.s32 s0, $0x0;
	_ =	strace $0x90000047  }
0x4d: {  	s0 =	sadd.s32 @!p0 $0x100000, s2;
	[bflag:$0x2] =	sbarrier.arrive $0xFFFF  }
0x4e: {  	[sflag:s0] =	ssyncadd.tile.s32 @!p0 $0x1;
	_ =	shalt  }
.Lfunc_end2:
_tile_overlayer_lowered:
.L_overlay_start_2:
0x4f: {  	(tag) =	ssettag $0x2  }
0x50: {  	s0 =	rddreg [dreg:$0x0];
	s2 =	stileid.u32  }
0x51: {  	s1 =	rddreg [dreg:$0x1];
	p0 =	sne.s32 s2, $0x0  }
0x52: {  	s3 =	rddreg [dreg:$0x2];
	[bflag:$0x3] =	sbarrier.arrive $0xFFFF;
	s2 =	simm.s32 @!p0 $0x1C02  }
0x53: {  	[timem:s3], [sflag:s2] =	dma.local @!p0 [hbm:s0], s1  }
0x54: {  	s0 =	simm.s32 @!p0 $0x2  }
0x55: {  	_ =	swait.ge @!p0 [sflag:s0], s1  }
0x56: {  	s1 =	ssub.s32 @!p0 $0x0, s1;
	[sflag:s0] =	ssyncset.done @!p0 $0x0  }
0x57: {  	[sflag:s0] =	ssyncadd.s32 @!p0 s1  }
0x58: {  	[bflag:$0x3] =	sbarrier.arrive $0xFFFF  }
0x59: {  	_ =	shalt  }

// kernel: kernel.9.cloned.1.call-start
scs
__scs_entry_jumppad:
0x0: {  	(pc) =	sbr.rel $0x88, $3  }
0x1: {  	(tag) =	ssettag $0x0;
	lr =	simm.s32 $0x1  }
0x2: {  	[smem:$0x3F99] =	sst lr;
	_ =	strace $0xD0000000  }
0x3: {  	_ = 	snop  }
0x4: {  	_ = 	snop  }
0x5: {  	_ = 	snop  }
0x6: {  	_ = 	snop  }
0x7: {  	_ = 	snop  }
__scs_overlays_trampoline_lowered:
0x8: {  	[smem:$0x3FA8] =	sst s0  }
0x9: {  	[smem:$0x3FA9] =	sst s1  }
0xa: {  	[smem:$0x3FAA] =	sst s2  }
0xb: {  	[smem:$0x3FAB] =	sst s3  }
0xc: {  	[smem:$0x3FAC] =	sst s4  }
0xd: {  	[smem:$0x3FAD] =	sst s5  }
0xe: {  	[smem:$0x3FAE] =	sst s6  }
0xf: {  	[smem:$0x3FAF] =	sst s7  }
0x10: {  	[smem:$0x3FB0] =	sst s8  }
0x11: {  	[smem:$0x3FB1] =	sst s9;
	s0 =	simm.s32 @!p0 $0x0  }
0x12: {  	s1 =	sld [smem:$0x3F97];
	s0 =	simm.s32 @p0 $0x1  }
0x13: {  	[smem:$0x3FB2] =	sst s0;
	s0 =	simm.s32 @!p1 $0x0  }
0x14: {  	s2 =	sld [smem:$0x3F96];
	s0 =	simm.s32 @p1 $0x1  }
0x15: {  	[smem:$0x3FB3] =	sst s0;
	s0 =	simm.s32 @!p2 $0x0  }
0x16: {  	s3 =	sld [smem:$0x3FDB];
	s0 =	simm.s32 @p2 $0x1  }
0x17: {  	s4 =	simm.s32 $0x1BF5;
	[smem:$0x3FB5] =	sst s0  }
0x18: {  	s0 =	sld [smem:$0x3F98];
	_ =	swait.ge [sflag:s4], $0x0  }
0x19: {  	s7 =	sld [smem:$0x3F99]  }
0x1a: {  	s8 =	sadd.s32 $0xFFFFE003, lr  }
0x1b: {  	s9 =	sadd.s32 $0xFFFFFEF7, lr;
	s5 =	simm.s32 $0xFFFFFFFF;
	p2 =	slt.u32 s8, $0xFFFFF086  }
0x1c: {  	p1 =	slt.u32 s9, $0xF7A;
	s5 =	simm.s32 @!p2 $0x0  }
0x1d: {  	s5 =	simm.s32 @p1 $0x1;
	p0 =	seq.s32 s7, s2  }
0x1e: {  	s7 =	smul.u32 @!p0 $0xF7A, s2;
	p2 =	seq.s32 @!p0 s5, $0x0  }
0x1f: {  	s9 =	smul.u32 $0xF7A, s1;
	s8 =	simm.s32 @!p0 $0x1BF5;
	p2 =	por !p2, p0  }
0x20: {  	[sflag:s8] =	ssyncset.s32 @!p0 $0xFFFFF086;
	s6 =	sadd.s32 @!p0 s3, s7;
	s7 =	simm.s32 @!p0 $0x108  }
0x21: {  	s3 =	sadd.s32 s3, s9;
	s6 =	sadd.s32 @!p0 $0x88, s6;
	s7 =	simm.s32 @p2 $0x1082  }
0x22: {  	[simem:s7], [sflag:s8] =	dma.local @!p0 [hbm:s6], $0xF7A  }
0x23: {  	s9 =	sor.u32 $0xD0000000, s2;
	s6 =	simm.s32 $0x108;
	_ =	swait.ge @!p0 [sflag:s8], $0x0  }
0x24: {  	s3 =	sadd.s32 $0x88, s3;
	s6 =	simm.s32 @!p1 $0x1082;
	[sflag:s4] =	ssyncset.s32 $0xFFFFF086  }
0x25: {  	[simem:s6], [sflag:s4] =	dma.local [hbm:s3], $0xF7A  }
0x26: {  	[smem:$0x3F99] =	sst s1;
	(tag) =	ssettag s2;
	_ =	strace s9  }
0x27: {  	s1 =	sld [smem:$0x3FA9]  }
0x28: {  	s2 =	sld [smem:$0x3FAA]  }
0x29: {  	s4 =	sld [smem:$0x3FAC]  }
0x2a: {  	p0 =	seq.s32 s5, $0x0;
	s5 =	sld [smem:$0x3FAD]  }
0x2b: {  	s6 =	sld [smem:$0x3FAE]  }
0x2c: {  	s7 =	sld [smem:$0x3FAF]  }
0x2d: {  	s3 =	simm.s32 $0x108;
	s8 =	sld [smem:$0x3FB0]  }
0x2e: {  	s3 =	simm.s32 @!p0 $0x1082;
	s9 =	sld [smem:$0x3FB1]  }
0x2f: {  	lr =	sadd.s32 s0, s3;
	s0 =	sld [smem:$0x3FA8]  }
0x30: {  	s3 =	sld [smem:$0x3FAB]  }
0x31: {  	[smem:$0x3FB4] =	sst s10  }
0x32: {  	s10 =	sld [smem:$0x3FB2];
	_ =	sdelay $0x3  }
0x33: {  	p0 =	seq.s32 s10, $0x1;
	s10 =	sld [smem:$0x3FB4];
	_ =	sdelay $0x3  }
0x34: {  	[smem:$0x3FB4] =	sst s10  }
0x35: {  	s10 =	sld [smem:$0x3FB3];
	_ =	sdelay $0x3  }
0x36: {  	p1 =	seq.s32 s10, $0x1;
	s10 =	sld [smem:$0x3FB4];
	_ =	sdelay $0x3  }
0x37: {  	[smem:$0x3FB4] =	sst s10  }
0x38: {  	s10 =	sld [smem:$0x3FB5]  }
0x39: {  	_ = 	snop;
	(pc) =	sbr.ind lr, $3  }
0x3a: {  	_ = 	snop  }
0x3b: {  	_ = 	snop  }
0x3c: {  	p2 =	seq.s32 s10, $0x1;
	s10 =	sld [smem:$0x3FB4]  }
0x3d: {  	_ =	shalt  }
0x3e: {  	_ =	shalt  }
0x3f: {  	_ =	shalt  }
0x40: {  	_ =	shalt  }
0x41: {  	_ =	shalt  }
0x42: {  	_ =	shalt  }
0x43: {  	_ =	shalt  }
0x44: {  	_ =	shalt  }
0x45: {  	_ =	shalt  }
0x46: {  	_ =	shalt  }
0x47: {  	_ =	shalt  }
0x48: {  	_ =	shalt  }
0x49: {  	_ =	shalt  }
0x4a: {  	_ =	shalt  }
0x4b: {  	_ =	shalt  }
0x4c: {  	_ =	shalt  }
0x4d: {  	_ =	shalt  }
0x4e: {  	_ =	shalt  }
0x4f: {  	_ =	shalt  }
0x50: {  	_ =	shalt  }
0x51: {  	_ =	shalt  }
0x52: {  	_ =	shalt  }
0x53: {  	_ =	shalt  }
0x54: {  	_ =	shalt  }
0x55: {  	_ =	shalt  }
0x56: {  	_ =	shalt  }
0x57: {  	_ =	shalt  }
0x58: {  	_ =	shalt  }
0x59: {  	_ =	shalt  }
0x5a: {  	_ =	shalt  }
0x5b: {  	_ =	shalt  }
0x5c: {  	_ =	shalt  }
0x5d: {  	_ =	shalt  }
0x5e: {  	_ =	shalt  }
0x5f: {  	_ =	shalt  }
0x60: {  	_ =	shalt  }
0x61: {  	_ =	shalt  }
0x62: {  	_ =	shalt  }
0x63: {  	_ =	shalt  }
0x64: {  	_ =	shalt  }
0x65: {  	_ =	shalt  }
0x66: {  	_ =	shalt  }
0x67: {  	_ =	shalt  }
0x68: {  	_ =	shalt  }
0x69: {  	_ =	shalt  }
0x6a: {  	_ =	shalt  }
0x6b: {  	_ =	shalt  }
0x6c: {  	_ =	shalt  }
0x6d: {  	_ =	shalt  }
0x6e: {  	_ =	shalt  }
0x6f: {  	_ =	shalt  }
0x70: {  	_ =	shalt  }
0x71: {  	_ =	shalt  }
0x72: {  	_ =	shalt  }
0x73: {  	_ =	shalt  }
0x74: {  	_ =	shalt  }
0x75: {  	_ =	shalt  }
0x76: {  	_ =	shalt  }
0x77: {  	_ =	shalt  }
0x78: {  	_ =	shalt  }
0x79: {  	_ =	shalt  }
0x7a: {  	_ =	shalt  }
0x7b: {  	_ =	shalt  }
0x7c: {  	_ =	shalt  }
0x7d: {  	_ =	shalt  }
0x7e: {  	_ =	shalt  }
0x7f: {  	_ =	shalt  }
0x80: {  	_ =	shalt  }
0x81: {  	_ =	shalt  }
0x82: {  	_ =	shalt  }
0x83: {  	_ =	shalt  }
0x84: {  	_ =	shalt  }
0x85: {  	_ =	shalt  }
0x86: {  	_ =	shalt  }
0x87: {  	_ =	shalt  }
.Lfunc_end0:
.L_simem_size_0:
called_computation.1_lowered:
.L_overlay_start_0:
0x88: {  	s2 =	sld [smem:$0x3FD9]  }
0x89: {  	s3 =	sld [smem:$0x3FFE];
	_ =	sdelay $0x1  }
0x8a: {  	s1 =	srdreg.scid  }
0x8b: {  	s0 =	sand.u32 $0x1, s1  }
0x8c: {  	s17 =	sshll.u32 s0, $0xA;
	s2 =	sadd.s32 s3, s2  }
0x8d: {  	s2 =	sadd.s32 s2, s17  }
0x8e: {  	[smem:$0x3FC0] =	sst s2  }
0x8f: {  	_ = 	snop  }
0x90: {  	s2 =	sld [smem:$0x3FD0];
	(tm) =	ssettm $0x1  }
0x91: {  	s18 =	sld [smem:$0x3FFB];
	_ =	sdelay $0x3  }
0x92: {  	_ =	strace s18  }
0x93: {  	s3 =	sld [smem:$0x3FFC];
	_ =	sdelay $0x3  }
0x94: {  	_ =	strace s3  }
0x95: {  	s3 =	sld [smem:$0x3FFD];
	_ =	sdelay $0x3  }
0x96: {  	_ =	strace s3  }
0x97: {  	_ =	strace $0x8FFFFFFF  }
0x98: {  	s19 =	sld [smem:$0x3FDB];
	_ =	sdelay $0x1  }
0x99: {  	s4 =	simm.s32 $_scs_section_size  }
0x9a: {  	s5 =	simm.s32 $_size__tile_overlayer_lowered;
	s6 =	simm.s32 $_tile_overlayer_lowered  }
0x9b: {  	s22 =	simm.s32 $0x1BFF;
	s21 =	sshll.u32 s6, $0x1;
	s3 =	sadd.s32 s4, s19  }
0x9c: {  	s7 =	simm.s32 $0x0;
	s20 =	sshll.u32 s5, $0x1;
	s5 =	sadd.s32 s21, s3  }
0x9d: {  	[timem:s7], [sflag:s22] =	dma.local [hbm:s5], s20  }
0x9e: {  	_ =	swait.ge [sflag:s22], s20  }
0x9f: {  	s4 =	ssub.s32 $0x0, s20;
	[sflag:s22] =	ssyncset.done $0x0  }
0xa0: {  	[sflag:s22] =	ssyncadd.s32 s4;
	_ =	sdelay $0x1  }
0xa1: {  	s23 =	simm.s32 $0x1B8B  }
0xa2: {  	_ =	swait.ge [sflag:s23], $0x1  }
0xa3: {  	[sflag:s23] =	ssyncset.done $0x0  }
0xa4: {  	s25 =	simm.s32 $0x1B8E;
	s24 =	sld [smem:$0x3FFE];
	[sflag:s23] =	ssyncadd.s32 $0xFFFFFFFF  }
0xa5: {  	s26 =	simm.s32 $execute0_lowered;
	[smem:$0x3FD2] =	sst s25  }
0xa6: {  	s5 =	sshll.u32 s26, $0x1;
	_ =	strace $0x80000049;
	[dreg:$0x1] =	wrdreg $0xFFFFFFFF  }
0xa7: {  	s28 =	simm.s32 $_size_execute0_lowered;
	s3 =	sadd.s32 s3, s5;
	[dreg:$0x0] =	wrdreg $0x0  }
0xa8: {  	s5 =	sshll.u32 s28, $0x1;
	[dreg:$0x2] =	wrdreg s3  }
0xa9: {  	[dreg:$0x3] =	wrdreg s5  }
0xaa: {  	[dreg:$0x4] =	wrdreg $0xC0  }
0xab: {  	_ =	task [dreg:s7], $0x5FFFF  }
0xac: {  	[dreg:$0x1] =	wrdreg $0xFFFFFFFF  }
0xad: {  	[dreg:$0x0] =	wrdreg $0x60  }
0xae: {  	[dreg:$0x2] =	wrdreg s2  }
0xaf: {  	[dreg:$0x3] =	wrdreg s24  }
0xb0: {  	[dreg:$0x4] =	wrdreg $0x41000  }
0xb1: {  	[dreg:$0x5] =	wrdreg $0x9  }
0xb2: {  	_ =	task.clear_ibuf [dreg:s7], $0x6FFFF;
	_ =	strace $0x90000049  }
0xb3: {  	s29 =	simm.s32 $0x9;
	_ =	strace $0x8000004B  }
0xb4: {  	_ =	swait.ge [sflag:s29], $0x1  }
0xb5: {  	[sflag:s29] =	ssyncadd.s32 $0xFFFFFFFF  }
0xb6: {  	_ =	strace $0x9000004B  }
0xb7: {  	_ =	sfence  }
0xb8: {  	s30 =	sld [smem:$0x0];
	_ =	sdelay $0x2  }
0xb9: {  	s31 =	sshll.u32 s1, $0xD;
	s1 =	sshrl.u32 s1, $0x2  }
0xba: {  	s3 =	sand.u32 $0x4000, s31;
	s1 =	sadd.s32 s1, s30  }
0xbb: {  	s0 =	sor.u32 s3, s0;
	s1 =	sshll.u32 s1, $0x11  }
0xbc: {  	s0 =	sor.u32 s1, s0  }
0xbd: {  	s0 =	sadd.s32 $0x8F2B, s0  }
0xbe: {  	[sflag:s0] =	ssyncadd.remote.s32 $0x1  }
0xbf: {  	_ =	sfence.sel $0xFFFF  }
0xc0: {  	[dreg:$0x0] =	wrdreg $0xFFFFFFFF;
	(pc) =	sbr.abs _section_cstart, $3  }
0xc1: {  	[dreg:$0x1] =	wrdreg $0xFFFFFFFF  }
0xc2: {  	_ =	task.clear_ibuf [dreg:s7], $0x2FFFF;
	_ =	strace $0x9FFFFFFF  }
0xc3: {  	(tm) =	ssettm $0x7FFFFFFF  }
tec
execute0_lowered:
.L_overlay_start_1:
0x0: {  	(tag) =	ssettag $0x1  }
0x1: {  	s2 =	rddreg [dreg:$0x0]  }
0x2: {  	s5 =	rddreg [dreg:$0x1]  }
0x3: {  	s3 =	rddreg [dreg:$0x2]  }
0x4: {  	s0 =	rddreg [dreg:$0x3]  }
0x5: {  	s1 =	stileid.u32;
	s7 =	srdreg.scid;
	s4 =	simm.s32 $0x0  }
0x6: {  	s13 =	simm.s32 $0x80;
	s14 =	simm.s32 $0x100;
	s6 =	smul.u32 $0x9E0, s1  }
0x7: {  	s15 =	simm.s32 $0x1;
	s16 =	simm.s32 $0x0;
	s8 =	smul.u32 $0x13C00, s1  }
0x8: {  	s7 =	sand.u32 $0x1, s7;
	[smem:$0x7FF] =	sst s4;
	s11 =	smul.u32 $0x4F000, s1  }
0x9: {  	s31 =	sshll.u32 s1, $0x6;
	s9 =	smul.u32 $0x13C000, s7;
	_ =	strace $0x8000004A  }
0xa: {  	s26 =	ssub.s32 $0x2, s7;
	s30 =	smul.u32 $0x4F0, s7;
	s10 =	sadd.s32 s6, s5  }
0xb: {  	s25 =	sshrl.u32 s8, $0x3;
	s28 =	sshrl.u32 s26, $0x1;
	s29 =	sshrl.u32 s11, $0x2  }
0xc: {  	s8 =	sadd.s32 s8, s9;
	s6 =	sadd.s32 s25, s5;
	s9 =	ssub.s32 s26, s28  }
0xd: {  	s12 =	sadd.s32 s29, s3;
	s10 =	sadd.s32 s30, s10;
	s8 =	sshrl.u32 s8, $0x3  }
0xe: {  	s11 =	sshrl.u32 s12, $0x3;
	s12 =	simm.s32 $0x2;
	s8 =	sadd.s32 s8, s5  }
0xf: {  	s5 =	sadd.s32 $0x15A00, s6;
	s6 =	sor.u32 $0x1C02, s31;
	s7 =	sadd.s32 $0x3D200, s8  }
0x10: {  	s8 =	smax.u32 s9, $0x1;
	s9 =	sadd.s32 $0x1E00, s10;
	s10 =	sadd.s32 $0xBC00, s10  }
.LBB2_1:
0x11: {  	[spmem:s11], [sflag:s6] =	dma.local [hbm:s5], $0x2780  }
0x12: {  	_ =	swait.ge [sflag:s12], $0x2780  }
0x13: {  	[sflag:s12] =	ssyncset.done $0x0  }
0x14: {  	[sflag:s12] =	ssyncadd.s32 $0xFFFFD880  }
0x15: {  	s17 =	sadd.s32 $0x0, s10;
	[bflag:$0x0] =	sbarrier.arrive $0xFFFF  }
0x16: {  	[tilespmem:s4], [sflag:$0x2] =	stream.linear.gather [hbm4b:s17+s4], $0x80, $0x38;
	[tilespmem:$0x17D00] =	vst v63  }
0x17: {  	_ =	swait.ge [sflag:s12], $0x80  }
0x18: {  	[sflag:s12] =	ssyncset.done $0x0  }
0x19: {  	s31 =	sadd.s32 $0x0, s9;
	[sflag:s12] =	ssyncadd.s32 $0xFFFFFF80  }
0x1a: {  	[tilespmem:s13], [sflag:$0x2] =	stream.linear.gather [hbm4b:s31+s4], $0x80, $0x38;
	[tilespmem:$0x17D00] =	vst v63  }
0x1b: {  	_ =	swait.ge [sflag:s12], $0x80  }
0x1c: {  	[sflag:s12] =	ssyncset.done $0x0  }
0x1d: {  	[sflag:s12] =	ssyncadd.s32 $0xFFFFFF80  }
0x1e: {  	[tilespmem:s14], [sflag:$0x1] =	stream.indirect.gather [hbm4b:s2+s13], $0x80, s4, s13, $0xb8;
	[tilespmem:$0x17D00] =	vst v63  }
0x1f: {  	_ =	swait.ge [sflag:s15], $0x4000  }
0x20: {  	[sflag:s15] =	ssyncset.done $0x0  }
0x21: {  	[sflag:s15] =	ssyncadd.s32 $0xFFFFC000  }
0x22: {  	[spmem:s3] =	stream.indirect.scatter.add.f32 [tilespmem:s14], [sflag:$0x2], $0x80, s13, s13, $0xb8;
	[tilespmem:$0x17D00] =	vst v63  }
0x23: {  	_ =	swait.ge [sflag:s12], $0x4000  }
0x24: {  	s18 =	simm.s32 $0x20;
	s17 =	simm.s32 $0x10;
	[sflag:s12] =	ssyncset.done $0x0  }
.LBB2_2:
0x25: {  	s19 =	sadd.s32 s17, s10  }
0x26: {  	[sflag:s12] =	ssyncadd.s32 $0xFFFFC000;
	s20 =	smov.u32 s18;
	s21 =	sadd.s32 $0x10, s18  }
0x27: {  	[tilespmem:s4], [sflag:$0x2] =	stream.linear.gather [hbm4b:s19+s4], $0x80, $0x38;
	[tilespmem:$0x17D00] =	vst v63  }
0x28: {  	p0 =	sne.s32 s18, $0x4E0;
	_ =	swait.ge [sflag:s12], $0x80  }
0x29: {  	[sflag:s12] =	ssyncset.done $0x0  }
0x2a: {  	s18 =	sadd.s32 s17, s9;
	s17 =	smov.u32 s20;
	[sflag:s12] =	ssyncadd.s32 $0xFFFFFF80  }
0x2b: {  	[tilespmem:s13], [sflag:$0x2] =	stream.linear.gather [hbm4b:s18+s4], $0x80, $0x38;
	[tilespmem:$0x17D00] =	vst v63  }
0x2c: {  	_ =	swait.ge [sflag:s12], $0x80  }
0x2d: {  	[sflag:s12] =	ssyncset.done $0x0  }
0x2e: {  	[sflag:s12] =	ssyncadd.s32 $0xFFFFFF80  }
0x2f: {  	[tilespmem:s14], [sflag:$0x1] =	stream.indirect.gather [hbm4b:s2+s13], $0x80, s4, s13, $0xb8;
	[tilespmem:$0x17D00] =	vst v63  }
0x30: {  	_ =	swait.ge [sflag:s15], $0x4000  }
.Ltmp0:
0x31: {  	[sflag:s15] =	ssyncset.done $0x0;
	(pc) =	sbr.rel @p0 .LBB2_2-.Ltmp0, $4  }
0x32: {  	[sflag:s15] =	ssyncadd.s32 $0xFFFFC000  }
0x33: {  	[spmem:s3] =	stream.indirect.scatter.add.f32 [tilespmem:s14], [sflag:$0x2], $0x80, s13, s13, $0xb8;
	[tilespmem:$0x17D00] =	vst v63  }
0x34: {  	_ =	swait.ge [sflag:s12], $0x4000  }
0x35: {  	s18 =	smov.u32 s21;
	[sflag:s12] =	ssyncset.done $0x0  }
0x36: {  	s18 =	sadd.s32 s17, s10;
	[sflag:s12] =	ssyncadd.s32 $0xFFFFC000  }
0x37: {  	[tilespmem:s4], [sflag:$0x2] =	stream.linear.gather [hbm4b:s18+s4], $0x80, $0x38;
	[tilespmem:$0x17D00] =	vst v63  }
0x38: {  	_ =	swait.ge [sflag:s12], $0x80  }
0x39: {  	[sflag:s12] =	ssyncset.done $0x0  }
0x3a: {  	s31 =	sadd.s32 s17, s9;
	[sflag:s12] =	ssyncadd.s32 $0xFFFFFF80  }
0x3b: {  	[tilespmem:s13], [sflag:$0x2] =	stream.linear.gather [hbm4b:s31+s4], $0x80, $0x38;
	[tilespmem:$0x17D00] =	vst v63  }
0x3c: {  	_ =	swait.ge [sflag:s12], $0x80  }
0x3d: {  	[sflag:s12] =	ssyncset.done $0x0  }
0x3e: {  	[sflag:s12] =	ssyncadd.s32 $0xFFFFFF80  }
0x3f: {  	[tilespmem:s14], [sflag:$0x1] =	stream.indirect.gather [hbm4b:s2+s13], $0x80, s4, s13, $0xb8;
	[tilespmem:$0x17D00] =	vst v63  }
0x40: {  	_ =	swait.ge [sflag:s15], $0x4000  }
0x41: {  	[sflag:s15] =	ssyncset.done $0x0  }
0x42: {  	[sflag:s15] =	ssyncadd.s32 $0xFFFFC000  }
0x43: {  	[spmem:s3] =	stream.indirect.scatter.add.f32 [tilespmem:s14], [sflag:$0x2], $0x80, s13, s13, $0xb8;
	[tilespmem:$0x17D00] =	vst v63  }
0x44: {  	_ =	swait.ge [sflag:s12], $0x4000  }
0x45: {  	s16 =	sadd.s32 $0x1, s16;
	[sflag:s12] =	ssyncset.done $0x0  }
0x46: {  	p0 =	sne.s32 s16, s8;
	[sflag:s12] =	ssyncadd.s32 $0xFFFFC000  }
.Ltmp1:
0x47: {  	[bflag:$0x0] =	sbarrier.arrive $0xFFFF;
	(pc) =	sbr.rel @p0 .LBB2_1-.Ltmp1, $4  }
0x48: {  	[hbm:s7], [sflag:s6] =	dma.local [spmem:s11], $0x2780  }
0x49: {  	_ =	swait.ge [sflag:s12], $0x2780  }
0x4a: {  	[sflag:s12] =	ssyncset.done $0x0  }
0x4b: {  	[sflag:s12] =	ssyncadd.s32 $0xFFFFD880  }
0x4c: {  	_ =	sfence.sel $0x180000  }
0x4d: {  	[bflag:$0x0] =	sbarrier.arrive $0xFFFF  }
0x4e: {  	p0 =	sne.s32 s1, $0x0;
	_ =	strace $0x9000004A  }
0x4f: {  	s0 =	sadd.s32 @!p0 $0x100000, s0;
	[bflag:$0x2] =	sbarrier.arrive $0xFFFF  }
0x50: {  	[sflag:s0] =	ssyncadd.tile.s32 @!p0 $0x1;
	_ =	shalt  }
.Lfunc_end2:
_tile_overlayer_lowered:
.L_overlay_start_2:
0x51: {  	(tag) =	ssettag $0x2  }
0x52: {  	s0 =	rddreg [dreg:$0x0];
	s2 =	stileid.u32  }
0x53: {  	s1 =	rddreg [dreg:$0x1];
	p0 =	sne.s32 s2, $0x0  }
0x54: {  	s3 =	rddreg [dreg:$0x2];
	[bflag:$0x3] =	sbarrier.arrive $0xFFFF;
	s2 =	simm.s32 @!p0 $0x1C02  }
0x55: {  	[timem:s3], [sflag:s2] =	dma.local @!p0 [hbm:s0], s1  }
0x56: {  	s0 =	simm.s32 @!p0 $0x2  }
0x57: {  	_ =	swait.ge @!p0 [sflag:s0], s1  }
0x58: {  	s1 =	ssub.s32 @!p0 $0x0, s1;
	[sflag:s0] =	ssyncset.done @!p0 $0x0  }
0x59: {  	[sflag:s0] =	ssyncadd.s32 @!p0 s1  }
0x5a: {  	[bflag:$0x3] =	sbarrier.arrive $0xFFFF  }
0x5b: {  	_ =	shalt  }

</sc_bundles>
